<compile_context>
chip_gen: v7x
topology: tpu7x:2x2x1
jax: 0.10.2.dev20260603
libtpu: 0.0.44.dev20260713+nightly
codegen_flags: <defaults>
</compile_context>

<pallas_src>
import functools

import jax
import jax.numpy as jnp
from jax import lax
from jax.experimental import pallas as pl
from jax.experimental.pallas import tpu as pltpu
from jax.experimental.pallas import tpu_sc as plsc

D = 128
EI = 320000
E = EI // 2
NW = 32
EPW = E // NW
C = 40
NCHUNK = EPW // C
NSLOT = 5
NITER = NCHUNK // NSLOT
NGRP = (EPW + 15) // 16
EPW_PAD = NGRP * 16
STAGE = 2 * EPW_PAD


def _make_kernel():
    mesh = plsc.VectorSubcoreMesh(core_axis_name="c", subcore_axis_name="s")

    row_bufs = [pltpu.VMEM((C, D), jnp.float32) for _ in range(2 * NSLOT)]
    sems = [pltpu.SemaphoreType.DMA for _ in range(3 * NSLOT)]

    @functools.partial(
        pl.kernel,
        mesh=mesh,
        compiler_params=pltpu.CompilerParams(needs_layout_passes=False),
        out_type=(
            jax.ShapeDtypeStruct((E, D), jnp.float32),
            jax.ShapeDtypeStruct((E,), jnp.int32),
        ),
        scratch_types=[
            pltpu.VMEM((STAGE,), jnp.int32),
            pltpu.VMEM((EPW_PAD,), jnp.int32),
            pltpu.VMEM((EPW_PAD,), jnp.int32),
            pltpu.VMEM((EPW_PAD,), jnp.int32),
        ] + row_bufs + sems,
    )
    def tp_pool(x_hbm, ei_hbm, batch_hbm, out_hbm, eb_hbm,
                stage_v, src_v, dst_v, eb_all, *bufs_and_sems):
        s = bufs_and_sems[0:NSLOT]
        d = bufs_and_sems[NSLOT:2 * NSLOT]
        gs = bufs_and_sems[2 * NSLOT:3 * NSLOT]
        gd = bufs_and_sems[3 * NSLOT:4 * NSLOT]
        ss = bufs_and_sems[4 * NSLOT:5 * NSLOT]
        wid = lax.axis_index("s") * 2 + lax.axis_index("c")
        base = wid * EPW

        evens = lax.iota(jnp.int32, 16) * 2
        stage_v[pl.ds(2 * EPW, STAGE - 2 * EPW)] = jnp.zeros(
            (STAGE - 2 * EPW,), jnp.int32)

        def compact(row_off, out_idx):
            pltpu.sync_copy(ei_hbm.at[pl.ds(row_off + 2 * base, 2 * EPW)],
                            stage_v.at[pl.ds(0, 2 * EPW)])

            def grp(g, carry):
                v = plsc.load_gather(stage_v, [evens + g * 32])
                out_idx[pl.ds(g * 16, 16)] = v
                return carry

            lax.fori_loop(0, NGRP, grp, 0)

        compact(0, src_v)
        compact(EI, dst_v)

        def gather_src(ci, sk, sem):
            pltpu.async_copy(x_hbm.at[src_v.at[pl.ds(ci * C, C)]], sk, sem)

        def gather_dst(ci, dk, sem):
            pltpu.async_copy(x_hbm.at[dst_v.at[pl.ds(ci * C, C)]], dk, sem)

        def wait_gather_src(sk, sem):
            pltpu.make_async_copy(x_hbm.at[src_v.at[pl.ds(0, C)]], sk,
                                  sem).wait()

        def wait_gather_dst(dk, sem):
            pltpu.make_async_copy(x_hbm.at[dst_v.at[pl.ds(0, C)]], dk,
                                  sem).wait()

        def add(sk, dk):
            @plsc.parallel_loop(0, C, 1, unroll=2)
            def row_body(i):
                for q in range(D // 16):
                    sl = pl.ds(q * 16, 16)
                    plsc.addupdate(dk.at[i, sl], sk[i, sl])

        def store(ci, dk, sem):
            pltpu.async_copy(dk, out_hbm.at[pl.ds(base + ci * C, C)], sem)

        def wait_store(dk, sem):
            pltpu.make_async_copy(dk, out_hbm.at[pl.ds(base, C)], sem).wait()

        for k in range(NSLOT):
            gather_src(k, s[k], gs[k])
            gather_dst(k, d[k], gd[k])

        pltpu.sync_copy(batch_hbm.at[pl.ds(0, 10000)],
                        stage_v.at[pl.ds(0, 10000)])

        def eb_grp(g, carry):
            idxv = src_v[pl.ds(g * 16, 16)]
            eb_all[pl.ds(g * 16, 16)] = plsc.load_gather(stage_v, [idxv])
            return carry

        lax.fori_loop(0, NGRP, eb_grp, 0)

        def step(j, carry):
            for k in range(NSLOT):
                ci = j * NSLOT + k
                wait_gather_src(s[k], gs[k])
                wait_gather_dst(d[k], gd[k])
                add(s[k], d[k])
                store(ci, d[k], ss[k])
                wait_store(d[k], ss[k])

                @pl.when(j < NITER - 1)
                def _():
                    gather_src(ci + NSLOT, s[k], gs[k])
                    gather_dst(ci + NSLOT, d[k], gd[k])

            return carry

        lax.fori_loop(0, NITER, step, 0)
        pltpu.sync_copy(eb_all.at[pl.ds(0, EPW)], eb_hbm.at[pl.ds(base, EPW)])

    return tp_pool


_tp_pool = _make_kernel()


def kernel(x, edge_index, batch):
    ei_flat = edge_index.astype(jnp.int32).reshape(-1)
    batch_i32 = batch.astype(jnp.int32)
    tp_features, edge_batch = _tp_pool(x, ei_flat, batch_i32)
    return tp_features, edge_batch.astype(batch.dtype)

# --- scband reference (transcript-rebuilt; emitter-appended) ---
"""Pipeline reference for scband-triple-pattern-pooling-764504178971 (READ-ONLY COPY).

The authoritative reference and input builder live on the scoring server;
editing this copy changes nothing except your own understanding.
"""

import jax, jax.numpy as jnp
import numpy as np


def setup_inputs(seed: int = 0) -> dict:
    key = jax.random.key(seed)
    k1, k2, k3 = jax.random.split(key, 3)
    x = jax.random.normal(k1, (10000, 128), dtype=jnp.float32)
    edge_index = jax.random.randint(k2, (2, 320000), 0, 10000, dtype=jnp.int64)
    batch = jnp.sort(jax.random.randint(k3, (10000,), 0, 16, dtype=jnp.int64))
    return {"x": x, "edge_index": edge_index, "batch": batch}


def reference(x, edge_index, batch):
    # edge_index[:, ::2] -> keep every other edge (undirected pattern)
    edge_index_undirected = edge_index[:, ::2]
    # x[edge_index_undirected]: gather -> [2, E/2, d]; sum over dim 0 -> [E/2, d]
    tp_features = jnp.take(x, edge_index_undirected, axis=0).sum(axis=0)
    # batch id of source node for each undirected edge
    edge_batch = jnp.take(batch, edge_index_undirected[0], axis=0)
    return (tp_features, edge_batch)

if __name__ == "__main__":
    import jax
    _d = setup_inputs()
    print(jax.jit(kernel)(*tuple(_d.values())))

</pallas_src>

<mosaic_0001>
#map = affine_map<(d0, d1) -> (0, 0)>
#map1 = affine_map<(d0, d1) -> (0)>
module attributes {stable_mosaic.version = 14 : i64} {
  func.func @tp_pool(%arg0: i32, %arg1: i32, %arg2: memref<10000x128xf32, #tpu.memory_space<hbm>>, %arg3: memref<640000xi32, #tpu.memory_space<hbm>>, %arg4: memref<10000xi32, #tpu.memory_space<hbm>>, %arg5: memref<160000x128xf32, #tpu.memory_space<hbm>>, %arg6: memref<160000xi32, #tpu.memory_space<hbm>>, %arg7: memref<10016xi32, #tpu.memory_space<vmem>>, %arg8: memref<5008xi32, #tpu.memory_space<vmem>>, %arg9: memref<5008xi32, #tpu.memory_space<vmem>>, %arg10: memref<5008xi32, #tpu.memory_space<vmem>>, %arg11: memref<40x128xf32, #tpu.memory_space<vmem>>, %arg12: memref<40x128xf32, #tpu.memory_space<vmem>>, %arg13: memref<40x128xf32, #tpu.memory_space<vmem>>, %arg14: memref<40x128xf32, #tpu.memory_space<vmem>>, %arg15: memref<40x128xf32, #tpu.memory_space<vmem>>, %arg16: memref<40x128xf32, #tpu.memory_space<vmem>>, %arg17: memref<40x128xf32, #tpu.memory_space<vmem>>, %arg18: memref<40x128xf32, #tpu.memory_space<vmem>>, %arg19: memref<40x128xf32, #tpu.memory_space<vmem>>, %arg20: memref<40x128xf32, #tpu.memory_space<vmem>>, %arg21: memref<!tpu.dma_semaphore, #tpu.memory_space<semaphore_mem>>, %arg22: memref<!tpu.dma_semaphore, #tpu.memory_space<semaphore_mem>>, %arg23: memref<!tpu.dma_semaphore, #tpu.memory_space<semaphore_mem>>, %arg24: memref<!tpu.dma_semaphore, #tpu.memory_space<semaphore_mem>>, %arg25: memref<!tpu.dma_semaphore, #tpu.memory_space<semaphore_mem>>, %arg26: memref<!tpu.dma_semaphore, #tpu.memory_space<semaphore_mem>>, %arg27: memref<!tpu.dma_semaphore, #tpu.memory_space<semaphore_mem>>, %arg28: memref<!tpu.dma_semaphore, #tpu.memory_space<semaphore_mem>>, %arg29: memref<!tpu.dma_semaphore, #tpu.memory_space<semaphore_mem>>, %arg30: memref<!tpu.dma_semaphore, #tpu.memory_space<semaphore_mem>>, %arg31: memref<!tpu.dma_semaphore, #tpu.memory_space<semaphore_mem>>, %arg32: memref<!tpu.dma_semaphore, #tpu.memory_space<semaphore_mem>>, %arg33: memref<!tpu.dma_semaphore, #tpu.memory_space<semaphore_mem>>, %arg34: memref<!tpu.dma_semaphore, #tpu.memory_space<semaphore_mem>>, %arg35: memref<!tpu.dma_semaphore, #tpu.memory_space<semaphore_mem>>) attributes {dimension_semantics = [#tpu.dimension_semantics<core_parallel>, #tpu.dimension_semantics<subcore_parallel>], iteration_bounds = array<i64: 2, 16>, scalar_prefetch = 0 : i64, scratch_operands = 29 : i64, tpu.core_type = #tpu.core_type<sc_vector_subcore>, window_params = [{transform_indices = #map}, {transform_indices = #map1}, {transform_indices = #map1}, {transform_indices = #map}, {transform_indices = #map1}]} {
    %mul3A = arith.constant 2 : i32
    %mul3A_0 = arith.muli %arg1, %mul3A : i32
    %add3A = arith.addi %mul3A_0, %arg0 : i32
    %mul3A_1 = arith.constant 5000 : i32
    %mul3A_2 = arith.muli %add3A, %mul3A_1 : i32
    %iota3A = tpu.iota {dimensions = array<i32: 0>} : vector<16xi32>
    %mul3A_3 = arith.constant 2 : i32
    %mul3A_4 = vector.broadcast %mul3A_3 : i32 to vector<16xi32>
    %mul3A_5 = arith.muli %iota3A, %mul3A_4 : vector<16xi32>
    %broadcast_in_dim3A = arith.constant 0 : i32
    %broadcast_in_dim3A_6 = vector.broadcast %broadcast_in_dim3A : i32 to vector<16xi32>
    %swap3A = arith.constant 10000 : index
    %swap3A_7 = tpu.vector_load %arg7[%swap3A] {strides = array<i32>} : memref<10016xi32, #tpu.memory_space<vmem>>, vector<16xi32>,
    tpu.vector_store %arg7[%swap3A], %broadcast_in_dim3A_6 {strides = array<i32>} : memref<10016xi32, #tpu.memory_space<vmem>>, vector<16xi32>,
    %mul3A_8 = arith.constant 2 : i32
    %mul3A_9 = arith.muli %mul3A_8, %mul3A_2 : i32
    %add3A_10 = arith.constant 0 : i32
    %add3A_11 = arith.addi %add3A_10, %mul3A_9 : i32
    "tpu.region"() ({
      %run_scoped3A = tpu.sem_alloc : memref<!tpu.dma_semaphore, #tpu.memory_space<semaphore_mem>>
      %dma_start3A_88 = arith.constant 0 : i32
      %dma_start3A_89 = tpu.memref_slice %arg7[%dma_start3A_88] : memref<10016xi32, #tpu.memory_space<vmem>> -> memref<10000xi32, #tpu.memory_space<vmem>>
      %dma_start3A_90 = tpu.memref_slice %arg3[%add3A_11] : memref<640000xi32, #tpu.memory_space<hbm>> -> memref<10000xi32, #tpu.memory_space<hbm>>
      %dma_start3A_91 = arith.constant 0 : i32
      %dma_start3A_92 = tpu.memref_slice %arg7[%dma_start3A_91] : memref<10016xi32, #tpu.memory_space<vmem>> -> memref<10000xi32, #tpu.memory_space<vmem>>
      %dma_start3A_93 = tpu.memref_slice %arg3[%add3A_11] : memref<640000xi32, #tpu.memory_space<hbm>> -> memref<10000xi32, #tpu.memory_space<hbm>>
      tpu.enqueue_dma source(%dma_start3A_93 : memref<10000xi32, #tpu.memory_space<hbm>>) target(%dma_start3A_92 : memref<10000xi32, #tpu.memory_space<vmem>>) target_semaphore(%run_scoped3A : memref<!tpu.dma_semaphore, #tpu.memory_space<semaphore_mem>>)
      %dma_wait3A = arith.constant 0 : i32
      %dma_wait3A_94 = tpu.memref_slice %arg7[%dma_wait3A] : memref<10016xi32, #tpu.memory_space<vmem>> -> memref<10000xi32, #tpu.memory_space<vmem>>
      %dma_wait3A_95 = tpu.memref_slice %arg3[%add3A_11] : memref<640000xi32, #tpu.memory_space<hbm>> -> memref<10000xi32, #tpu.memory_space<hbm>>
      %dma_wait3A_96 = arith.constant 0 : i32
      %dma_wait3A_97 = tpu.memref_slice %arg7[%dma_wait3A_96] : memref<10016xi32, #tpu.memory_space<vmem>> -> memref<10000xi32, #tpu.memory_space<vmem>>
      %dma_wait3A_98 = tpu.memref_slice %arg3[%add3A_11] : memref<640000xi32, #tpu.memory_space<hbm>> -> memref<10000xi32, #tpu.memory_space<hbm>>
      tpu.wait_dma2 semaphore(%run_scoped3A : memref<!tpu.dma_semaphore, #tpu.memory_space<semaphore_mem>>) src(%dma_wait3A_98 : memref<10000xi32, #tpu.memory_space<hbm>>) dst(%dma_wait3A_97 : memref<10000xi32, #tpu.memory_space<vmem>>)
      tpu.yield
    }) : () -> ()
    %scan3A = arith.constant 0 : i32
    %scan3A_12 = arith.constant 0 : i32
    %scan3A_13 = arith.constant 313 : i32
    %scan3A_14 = arith.addi %scan3A_12, %scan3A_13 : i32
    %scan3A_15 = arith.constant 1 : i32
    scf.for %scan3A_88 = %scan3A_12 to %scan3A_14 step %scan3A_15  : i32 {
      %mul3A_89 = arith.constant 32 : i32
      %mul3A_90 = arith.muli %scan3A_88, %mul3A_89 : i32
      %add3A_91 = vector.broadcast %mul3A_90 : i32 to vector<16xi32>
      %add3A_92 = arith.addi %mul3A_5, %add3A_91 : vector<16xi32>
      %gather3A = tpu.vector_load_idx %arg7[%add3A_92] : memref<10016xi32, #tpu.memory_space<vmem>>[vector<16xi32>], vector<16xi32>,
      %mul3A_93 = arith.constant 16 : i32
      %mul3A_94 = arith.muli %scan3A_88, %mul3A_93 : i32
      %swap3A_95 = arith.index_cast %mul3A_94 : i32 to index
      %swap3A_96 = tpu.vector_load %arg8[%swap3A_95] {strides = array<i32>} : memref<5008xi32, #tpu.memory_space<vmem>>, vector<16xi32>,
      tpu.vector_store %arg8[%swap3A_95], %gather3A {strides = array<i32>} : memref<5008xi32, #tpu.memory_space<vmem>>, vector<16xi32>,
    }
    %scan3A_16 = arith.constant 313 : i32
    %mul3A_17 = arith.constant 2 : i32
    %mul3A_18 = arith.muli %mul3A_17, %mul3A_2 : i32
    %add3A_19 = arith.constant 320000 : i32
    %add3A_20 = arith.addi %add3A_19, %mul3A_18 : i32
    "tpu.region"() ({
      %run_scoped3A = tpu.sem_alloc : memref<!tpu.dma_semaphore, #tpu.memory_space<semaphore_mem>>
      %dma_start3A_88 = arith.constant 0 : i32
      %dma_start3A_89 = tpu.memref_slice %arg7[%dma_start3A_88] : memref<10016xi32, #tpu.memory_space<vmem>> -> memref<10000xi32, #tpu.memory_space<vmem>>
      %dma_start3A_90 = tpu.memref_slice %arg3[%add3A_20] : memref<640000xi32, #tpu.memory_space<hbm>> -> memref<10000xi32, #tpu.memory_space<hbm>>
      %dma_start3A_91 = arith.constant 0 : i32
      %dma_start3A_92 = tpu.memref_slice %arg7[%dma_start3A_91] : memref<10016xi32, #tpu.memory_space<vmem>> -> memref<10000xi32, #tpu.memory_space<vmem>>
      %dma_start3A_93 = tpu.memref_slice %arg3[%add3A_20] : memref<640000xi32, #tpu.memory_space<hbm>> -> memref<10000xi32, #tpu.memory_space<hbm>>
      tpu.enqueue_dma source(%dma_start3A_93 : memref<10000xi32, #tpu.memory_space<hbm>>) target(%dma_start3A_92 : memref<10000xi32, #tpu.memory_space<vmem>>) target_semaphore(%run_scoped3A : memref<!tpu.dma_semaphore, #tpu.memory_space<semaphore_mem>>)
      %dma_wait3A = arith.constant 0 : i32
      %dma_wait3A_94 = tpu.memref_slice %arg7[%dma_wait3A] : memref<10016xi32, #tpu.memory_space<vmem>> -> memref<10000xi32, #tpu.memory_space<vmem>>
      %dma_wait3A_95 = tpu.memref_slice %arg3[%add3A_20] : memref<640000xi32, #tpu.memory_space<hbm>> -> memref<10000xi32, #tpu.memory_space<hbm>>
      %dma_wait3A_96 = arith.constant 0 : i32
      %dma_wait3A_97 = tpu.memref_slice %arg7[%dma_wait3A_96] : memref<10016xi32, #tpu.memory_space<vmem>> -> memref<10000xi32, #tpu.memory_space<vmem>>
      %dma_wait3A_98 = tpu.memref_slice %arg3[%add3A_20] : memref<640000xi32, #tpu.memory_space<hbm>> -> memref<10000xi32, #tpu.memory_space<hbm>>
      tpu.wait_dma2 semaphore(%run_scoped3A : memref<!tpu.dma_semaphore, #tpu.memory_space<semaphore_mem>>) src(%dma_wait3A_98 : memref<10000xi32, #tpu.memory_space<hbm>>) dst(%dma_wait3A_97 : memref<10000xi32, #tpu.memory_space<vmem>>)
      tpu.yield
    }) : () -> ()
    %scan3A_21 = arith.constant 0 : i32
    %scan3A_22 = arith.constant 0 : i32
    %scan3A_23 = arith.constant 313 : i32
    %scan3A_24 = arith.addi %scan3A_22, %scan3A_23 : i32
    %scan3A_25 = arith.constant 1 : i32
    scf.for %scan3A_88 = %scan3A_22 to %scan3A_24 step %scan3A_25  : i32 {
      %mul3A_89 = arith.constant 32 : i32
      %mul3A_90 = arith.muli %scan3A_88, %mul3A_89 : i32
      %add3A_91 = vector.broadcast %mul3A_90 : i32 to vector<16xi32>
      %add3A_92 = arith.addi %mul3A_5, %add3A_91 : vector<16xi32>
      %gather3A = tpu.vector_load_idx %arg7[%add3A_92] : memref<10016xi32, #tpu.memory_space<vmem>>[vector<16xi32>], vector<16xi32>,
      %mul3A_93 = arith.constant 16 : i32
      %mul3A_94 = arith.muli %scan3A_88, %mul3A_93 : i32
      %swap3A_95 = arith.index_cast %mul3A_94 : i32 to index
      %swap3A_96 = tpu.vector_load %arg9[%swap3A_95] {strides = array<i32>} : memref<5008xi32, #tpu.memory_space<vmem>>, vector<16xi32>,
      tpu.vector_store %arg9[%swap3A_95], %gather3A {strides = array<i32>} : memref<5008xi32, #tpu.memory_space<vmem>>, vector<16xi32>,
    }
    %scan3A_26 = arith.constant 313 : i32
    %dma_start3A = arith.constant 0 : i32
    %dma_start3A_27 = tpu.memref_slice %arg8[%dma_start3A] : memref<5008xi32, #tpu.memory_space<vmem>> -> memref<40xi32, #tpu.memory_space<vmem>>
    %dma_start3A_28 = arith.constant 0 : i32
    %dma_start3A_29 = arith.constant 0 : i32
    %dma_start3A_30 = tpu.memref_slice %arg2[%dma_start3A_28, %dma_start3A_29] : memref<10000x128xf32, #tpu.memory_space<hbm>> -> memref<10000x128xf32, #tpu.memory_space<hbm>>
    tpu.enqueue_indirect_dma source(%dma_start3A_30 : memref<10000x128xf32, #tpu.memory_space<hbm>>) target(%arg11 : memref<40x128xf32, #tpu.memory_space<vmem>>) offsets(%dma_start3A_27 : memref<40xi32, #tpu.memory_space<vmem>>) semaphore(%arg21 : memref<!tpu.dma_semaphore, #tpu.memory_space<semaphore_mem>>)
    %dma_start3A_31 = arith.constant 0 : i32
    %dma_start3A_32 = tpu.memref_slice %arg9[%dma_start3A_31] : memref<5008xi32, #tpu.memory_space<vmem>> -> memref<40xi32, #tpu.memory_space<vmem>>
    %dma_start3A_33 = arith.constant 0 : i32
    %dma_start3A_34 = arith.constant 0 : i32
    %dma_start3A_35 = tpu.memref_slice %arg2[%dma_start3A_33, %dma_start3A_34] : memref<10000x128xf32, #tpu.memory_space<hbm>> -> memref<10000x128xf32, #tpu.memory_space<hbm>>
    tpu.enqueue_indirect_dma source(%dma_start3A_35 : memref<10000x128xf32, #tpu.memory_space<hbm>>) target(%arg16 : memref<40x128xf32, #tpu.memory_space<vmem>>) offsets(%dma_start3A_32 : memref<40xi32, #tpu.memory_space<vmem>>) semaphore(%arg26 : memref<!tpu.dma_semaphore, #tpu.memory_space<semaphore_mem>>)
    %dma_start3A_36 = arith.constant 40 : i32
    %dma_start3A_37 = tpu.memref_slice %arg8[%dma_start3A_36] : memref<5008xi32, #tpu.memory_space<vmem>> -> memref<40xi32, #tpu.memory_space<vmem>>
    %dma_start3A_38 = arith.constant 0 : i32
    %dma_start3A_39 = arith.constant 0 : i32
    %dma_start3A_40 = tpu.memref_slice %arg2[%dma_start3A_38, %dma_start3A_39] : memref<10000x128xf32, #tpu.memory_space<hbm>> -> memref<10000x128xf32, #tpu.memory_space<hbm>>
    tpu.enqueue_indirect_dma source(%dma_start3A_40 : memref<10000x128xf32, #tpu.memory_space<hbm>>) target(%arg12 : memref<40x128xf32, #tpu.memory_space<vmem>>) offsets(%dma_start3A_37 : memref<40xi32, #tpu.memory_space<vmem>>) semaphore(%arg22 : memref<!tpu.dma_semaphore, #tpu.memory_space<semaphore_mem>>)
    %dma_start3A_41 = arith.constant 40 : i32
    %dma_start3A_42 = tpu.memref_slice %arg9[%dma_start3A_41] : memref<5008xi32, #tpu.memory_space<vmem>> -> memref<40xi32, #tpu.memory_space<vmem>>
    %dma_start3A_43 = arith.constant 0 : i32
    %dma_start3A_44 = arith.constant 0 : i32
    %dma_start3A_45 = tpu.memref_slice %arg2[%dma_start3A_43, %dma_start3A_44] : memref<10000x128xf32, #tpu.memory_space<hbm>> -> memref<10000x128xf32, #tpu.memory_space<hbm>>
    tpu.enqueue_indirect_dma source(%dma_start3A_45 : memref<10000x128xf32, #tpu.memory_space<hbm>>) target(%arg17 : memref<40x128xf32, #tpu.memory_space<vmem>>) offsets(%dma_start3A_42 : memref<40xi32, #tpu.memory_space<vmem>>) semaphore(%arg27 : memref<!tpu.dma_semaphore, #tpu.memory_space<semaphore_mem>>)
    %dma_start3A_46 = arith.constant 80 : i32
    %dma_start3A_47 = tpu.memref_slice %arg8[%dma_start3A_46] : memref<5008xi32, #tpu.memory_space<vmem>> -> memref<40xi32, #tpu.memory_space<vmem>>
    %dma_start3A_48 = arith.constant 0 : i32
    %dma_start3A_49 = arith.constant 0 : i32
    %dma_start3A_50 = tpu.memref_slice %arg2[%dma_start3A_48, %dma_start3A_49] : memref<10000x128xf32, #tpu.memory_space<hbm>> -> memref<10000x128xf32, #tpu.memory_space<hbm>>
    tpu.enqueue_indirect_dma source(%dma_start3A_50 : memref<10000x128xf32, #tpu.memory_space<hbm>>) target(%arg13 : memref<40x128xf32, #tpu.memory_space<vmem>>) offsets(%dma_start3A_47 : memref<40xi32, #tpu.memory_space<vmem>>) semaphore(%arg23 : memref<!tpu.dma_semaphore, #tpu.memory_space<semaphore_mem>>)
    %dma_start3A_51 = arith.constant 80 : i32
    %dma_start3A_52 = tpu.memref_slice %arg9[%dma_start3A_51] : memref<5008xi32, #tpu.memory_space<vmem>> -> memref<40xi32, #tpu.memory_space<vmem>>
    %dma_start3A_53 = arith.constant 0 : i32
    %dma_start3A_54 = arith.constant 0 : i32
    %dma_start3A_55 = tpu.memref_slice %arg2[%dma_start3A_53, %dma_start3A_54] : memref<10000x128xf32, #tpu.memory_space<hbm>> -> memref<10000x128xf32, #tpu.memory_space<hbm>>
    tpu.enqueue_indirect_dma source(%dma_start3A_55 : memref<10000x128xf32, #tpu.memory_space<hbm>>) target(%arg18 : memref<40x128xf32, #tpu.memory_space<vmem>>) offsets(%dma_start3A_52 : memref<40xi32, #tpu.memory_space<vmem>>) semaphore(%arg28 : memref<!tpu.dma_semaphore, #tpu.memory_space<semaphore_mem>>)
    %dma_start3A_56 = arith.constant 120 : i32
    %dma_start3A_57 = tpu.memref_slice %arg8[%dma_start3A_56] : memref<5008xi32, #tpu.memory_space<vmem>> -> memref<40xi32, #tpu.memory_space<vmem>>
    %dma_start3A_58 = arith.constant 0 : i32
    %dma_start3A_59 = arith.constant 0 : i32
    %dma_start3A_60 = tpu.memref_slice %arg2[%dma_start3A_58, %dma_start3A_59] : memref<10000x128xf32, #tpu.memory_space<hbm>> -> memref<10000x128xf32, #tpu.memory_space<hbm>>
    tpu.enqueue_indirect_dma source(%dma_start3A_60 : memref<10000x128xf32, #tpu.memory_space<hbm>>) target(%arg14 : memref<40x128xf32, #tpu.memory_space<vmem>>) offsets(%dma_start3A_57 : memref<40xi32, #tpu.memory_space<vmem>>) semaphore(%arg24 : memref<!tpu.dma_semaphore, #tpu.memory_space<semaphore_mem>>)
    %dma_start3A_61 = arith.constant 120 : i32
    %dma_start3A_62 = tpu.memref_slice %arg9[%dma_start3A_61] : memref<5008xi32, #tpu.memory_space<vmem>> -> memref<40xi32, #tpu.memory_space<vmem>>
    %dma_start3A_63 = arith.constant 0 : i32
    %dma_start3A_64 = arith.constant 0 : i32
    %dma_start3A_65 = tpu.memref_slice %arg2[%dma_start3A_63, %dma_start3A_64] : memref<10000x128xf32, #tpu.memory_space<hbm>> -> memref<10000x128xf32, #tpu.memory_space<hbm>>
    tpu.enqueue_indirect_dma source(%dma_start3A_65 : memref<10000x128xf32, #tpu.memory_space<hbm>>) target(%arg19 : memref<40x128xf32, #tpu.memory_space<vmem>>) offsets(%dma_start3A_62 : memref<40xi32, #tpu.memory_space<vmem>>) semaphore(%arg29 : memref<!tpu.dma_semaphore, #tpu.memory_space<semaphore_mem>>)
    %dma_start3A_66 = arith.constant 160 : i32
    %dma_start3A_67 = tpu.memref_slice %arg8[%dma_start3A_66] : memref<5008xi32, #tpu.memory_space<vmem>> -> memref<40xi32, #tpu.memory_space<vmem>>
    %dma_start3A_68 = arith.constant 0 : i32
    %dma_start3A_69 = arith.constant 0 : i32
    %dma_start3A_70 = tpu.memref_slice %arg2[%dma_start3A_68, %dma_start3A_69] : memref<10000x128xf32, #tpu.memory_space<hbm>> -> memref<10000x128xf32, #tpu.memory_space<hbm>>
    tpu.enqueue_indirect_dma source(%dma_start3A_70 : memref<10000x128xf32, #tpu.memory_space<hbm>>) target(%arg15 : memref<40x128xf32, #tpu.memory_space<vmem>>) offsets(%dma_start3A_67 : memref<40xi32, #tpu.memory_space<vmem>>) semaphore(%arg25 : memref<!tpu.dma_semaphore, #tpu.memory_space<semaphore_mem>>)
    %dma_start3A_71 = arith.constant 160 : i32
    %dma_start3A_72 = tpu.memref_slice %arg9[%dma_start3A_71] : memref<5008xi32, #tpu.memory_space<vmem>> -> memref<40xi32, #tpu.memory_space<vmem>>
    %dma_start3A_73 = arith.constant 0 : i32
    %dma_start3A_74 = arith.constant 0 : i32
    %dma_start3A_75 = tpu.memref_slice %arg2[%dma_start3A_73, %dma_start3A_74] : memref<10000x128xf32, #tpu.memory_space<hbm>> -> memref<10000x128xf32, #tpu.memory_space<hbm>>
    tpu.enqueue_indirect_dma source(%dma_start3A_75 : memref<10000x128xf32, #tpu.memory_space<hbm>>) target(%arg20 : memref<40x128xf32, #tpu.memory_space<vmem>>) offsets(%dma_start3A_72 : memref<40xi32, #tpu.memory_space<vmem>>) semaphore(%arg30 : memref<!tpu.dma_semaphore, #tpu.memory_space<semaphore_mem>>)
    "tpu.region"() ({
      %run_scoped3A = tpu.sem_alloc : memref<!tpu.dma_semaphore, #tpu.memory_space<semaphore_mem>>
      %dma_start3A_88 = arith.constant 0 : i32
      %dma_start3A_89 = tpu.memref_slice %arg7[%dma_start3A_88] : memref<10016xi32, #tpu.memory_space<vmem>> -> memref<10000xi32, #tpu.memory_space<vmem>>
      %dma_start3A_90 = arith.constant 0 : i32
      %dma_start3A_91 = tpu.memref_slice %arg4[%dma_start3A_90] : memref<10000xi32, #tpu.memory_space<hbm>> -> memref<10000xi32, #tpu.memory_space<hbm>>
      %dma_start3A_92 = arith.constant 0 : i32
      %dma_start3A_93 = tpu.memref_slice %arg7[%dma_start3A_92] : memref<10016xi32, #tpu.memory_space<vmem>> -> memref<10000xi32, #tpu.memory_space<vmem>>
      %dma_start3A_94 = arith.constant 0 : i32
      %dma_start3A_95 = tpu.memref_slice %arg4[%dma_start3A_94] : memref<10000xi32, #tpu.memory_space<hbm>> -> memref<10000xi32, #tpu.memory_space<hbm>>
      tpu.enqueue_dma source(%dma_start3A_95 : memref<10000xi32, #tpu.memory_space<hbm>>) target(%dma_start3A_93 : memref<10000xi32, #tpu.memory_space<vmem>>) target_semaphore(%run_scoped3A : memref<!tpu.dma_semaphore, #tpu.memory_space<semaphore_mem>>)
      %dma_wait3A = arith.constant 0 : i32
      %dma_wait3A_96 = tpu.memref_slice %arg7[%dma_wait3A] : memref<10016xi32, #tpu.memory_space<vmem>> -> memref<10000xi32, #tpu.memory_space<vmem>>
      %dma_wait3A_97 = arith.constant 0 : i32
      %dma_wait3A_98 = tpu.memref_slice %arg4[%dma_wait3A_97] : memref<10000xi32, #tpu.memory_space<hbm>> -> memref<10000xi32, #tpu.memory_space<hbm>>
      %dma_wait3A_99 = arith.constant 0 : i32
      %dma_wait3A_100 = tpu.memref_slice %arg7[%dma_wait3A_99] : memref<10016xi32, #tpu.memory_space<vmem>> -> memref<10000xi32, #tpu.memory_space<vmem>>
      %dma_wait3A_101 = arith.constant 0 : i32
      %dma_wait3A_102 = tpu.memref_slice %arg4[%dma_wait3A_101] : memref<10000xi32, #tpu.memory_space<hbm>> -> memref<10000xi32, #tpu.memory_space<hbm>>
      tpu.wait_dma2 semaphore(%run_scoped3A : memref<!tpu.dma_semaphore, #tpu.memory_space<semaphore_mem>>) src(%dma_wait3A_102 : memref<10000xi32, #tpu.memory_space<hbm>>) dst(%dma_wait3A_100 : memref<10000xi32, #tpu.memory_space<vmem>>)
      tpu.yield
    }) : () -> ()
    %scan3A_76 = arith.constant 0 : i32
    %scan3A_77 = arith.constant 0 : i32
    %scan3A_78 = arith.constant 313 : i32
    %scan3A_79 = arith.addi %scan3A_77, %scan3A_78 : i32
    %scan3A_80 = arith.constant 1 : i32
    scf.for %scan3A_88 = %scan3A_77 to %scan3A_79 step %scan3A_80  : i32 {
      %mul3A_89 = arith.constant 16 : i32
      %mul3A_90 = arith.muli %scan3A_88, %mul3A_89 : i32
      %get3A = arith.index_cast %mul3A_90 : i32 to index
      %get3A_91 = tpu.vector_load %arg8[%get3A] {strides = array<i32>} : memref<5008xi32, #tpu.memory_space<vmem>>, vector<16xi32>,
      %gather3A = tpu.vector_load_idx %arg7[%get3A_91] : memref<10016xi32, #tpu.memory_space<vmem>>[vector<16xi32>], vector<16xi32>,
      %mul3A_92 = arith.constant 16 : i32
      %mul3A_93 = arith.muli %scan3A_88, %mul3A_92 : i32
      %swap3A_94 = arith.index_cast %mul3A_93 : i32 to index
      %swap3A_95 = tpu.vector_load %arg10[%swap3A_94] {strides = array<i32>} : memref<5008xi32, #tpu.memory_space<vmem>>, vector<16xi32>,
      tpu.vector_store %arg10[%swap3A_94], %gather3A {strides = array<i32>} : memref<5008xi32, #tpu.memory_space<vmem>>, vector<16xi32>,
    }
    %scan3A_81 = arith.constant 313 : i32
    %scan3A_82 = arith.constant 0 : i32
    %scan3A_83 = arith.constant 0 : i32
    %scan3A_84 = arith.constant 25 : i32
    %scan3A_85 = arith.addi %scan3A_83, %scan3A_84 : i32
    %scan3A_86 = arith.constant 1 : i32
    scf.for %scan3A_88 = %scan3A_83 to %scan3A_85 step %scan3A_86  : i32 {
      %mul3A_89 = arith.constant 5 : i32
      %mul3A_90 = arith.muli %scan3A_88, %mul3A_89 : i32
      %add3A_91 = arith.constant 0 : i32
      %add3A_92 = arith.addi %mul3A_90, %add3A_91 : i32
      %dma_wait3A = arith.constant 0 : i32
      %dma_wait3A_93 = tpu.memref_slice %arg8[%dma_wait3A] : memref<5008xi32, #tpu.memory_space<vmem>> -> memref<40xi32, #tpu.memory_space<vmem>>
      %dma_wait3A_94 = arith.constant 0 : i32
      %dma_wait3A_95 = arith.constant 0 : i32
      %dma_wait3A_96 = tpu.memref_slice %arg2[%dma_wait3A_94, %dma_wait3A_95] : memref<10000x128xf32, #tpu.memory_space<hbm>> -> memref<10000x128xf32, #tpu.memory_space<hbm>>
      tpu.wait_indirect_dma semaphore(%arg21 : memref<!tpu.dma_semaphore, #tpu.memory_space<semaphore_mem>>) src(%dma_wait3A_96 : memref<10000x128xf32, #tpu.memory_space<hbm>>) dst(%arg11 : memref<40x128xf32, #tpu.memory_space<vmem>>)
      %dma_wait3A_97 = arith.constant 0 : i32
      %dma_wait3A_98 = tpu.memref_slice %arg9[%dma_wait3A_97] : memref<5008xi32, #tpu.memory_space<vmem>> -> memref<40xi32, #tpu.memory_space<vmem>>
      %dma_wait3A_99 = arith.constant 0 : i32
      %dma_wait3A_100 = arith.constant 0 : i32
      %dma_wait3A_101 = tpu.memref_slice %arg2[%dma_wait3A_99, %dma_wait3A_100] : memref<10000x128xf32, #tpu.memory_space<hbm>> -> memref<10000x128xf32, #tpu.memory_space<hbm>>
      tpu.wait_indirect_dma semaphore(%arg26 : memref<!tpu.dma_semaphore, #tpu.memory_space<semaphore_mem>>) src(%dma_wait3A_101 : memref<10000x128xf32, #tpu.memory_space<hbm>>) dst(%arg16 : memref<40x128xf32, #tpu.memory_space<vmem>>)
      %parallel_loop3A = arith.constant 0 : i32
      %parallel_loop3A_102 = arith.constant 40 : i32
      %parallel_loop3A_103 = arith.constant 1 : i32
      scf.for %parallel_loop3A_249 = %parallel_loop3A to %parallel_loop3A_102 step %parallel_loop3A_103  : i32 {
        %parallel_loop3A_250 = arith.index_cast %parallel_loop3A_249 : i32 to index
        %parallel_loop3A_251 = arith.constant 0 : index
        %parallel_loop3A_252 = tpu.vector_load %arg11[%parallel_loop3A_250, %parallel_loop3A_251] {strides = array<i32>} : memref<40x128xf32, #tpu.memory_space<vmem>>, vector<16xf32>,
        %parallel_loop3A_253 = arith.index_cast %parallel_loop3A_249 : i32 to index
        %parallel_loop3A_254 = arith.constant 0 : index
        %parallel_loop3A_255 = tpu.vector_load %arg16[%parallel_loop3A_253, %parallel_loop3A_254] {strides = array<i32>} : memref<40x128xf32, #tpu.memory_space<vmem>>, vector<16xf32>,
        tpu.vector_store %arg16[%parallel_loop3A_253, %parallel_loop3A_254], %parallel_loop3A_252 {add = true, strides = array<i32>} : memref<40x128xf32, #tpu.memory_space<vmem>>, vector<16xf32>,
        %parallel_loop3A_256 = arith.index_cast %parallel_loop3A_249 : i32 to index
        %parallel_loop3A_257 = arith.constant 16 : index
        %parallel_loop3A_258 = tpu.vector_load %arg11[%parallel_loop3A_256, %parallel_loop3A_257] {strides = array<i32>} : memref<40x128xf32, #tpu.memory_space<vmem>>, vector<16xf32>,
        %parallel_loop3A_259 = arith.index_cast %parallel_loop3A_249 : i32 to index
        %parallel_loop3A_260 = arith.constant 16 : index
        %parallel_loop3A_261 = tpu.vector_load %arg16[%parallel_loop3A_259, %parallel_loop3A_260] {strides = array<i32>} : memref<40x128xf32, #tpu.memory_space<vmem>>, vector<16xf32>,
        tpu.vector_store %arg16[%parallel_loop3A_259, %parallel_loop3A_260], %parallel_loop3A_258 {add = true, strides = array<i32>} : memref<40x128xf32, #tpu.memory_space<vmem>>, vector<16xf32>,
        %parallel_loop3A_262 = arith.index_cast %parallel_loop3A_249 : i32 to index
        %parallel_loop3A_263 = arith.constant 32 : index
        %parallel_loop3A_264 = tpu.vector_load %arg11[%parallel_loop3A_262, %parallel_loop3A_263] {strides = array<i32>} : memref<40x128xf32, #tpu.memory_space<vmem>>, vector<16xf32>,
        %parallel_loop3A_265 = arith.index_cast %parallel_loop3A_249 : i32 to index
        %parallel_loop3A_266 = arith.constant 32 : index
        %parallel_loop3A_267 = tpu.vector_load %arg16[%parallel_loop3A_265, %parallel_loop3A_266] {strides = array<i32>} : memref<40x128xf32, #tpu.memory_space<vmem>>, vector<16xf32>,
        tpu.vector_store %arg16[%parallel_loop3A_265, %parallel_loop3A_266], %parallel_loop3A_264 {add = true, strides = array<i32>} : memref<40x128xf32, #tpu.memory_space<vmem>>, vector<16xf32>,
        %parallel_loop3A_268 = arith.index_cast %parallel_loop3A_249 : i32 to index
        %parallel_loop3A_269 = arith.constant 48 : index
        %parallel_loop3A_270 = tpu.vector_load %arg11[%parallel_loop3A_268, %parallel_loop3A_269] {strides = array<i32>} : memref<40x128xf32, #tpu.memory_space<vmem>>, vector<16xf32>,
        %parallel_loop3A_271 = arith.index_cast %parallel_loop3A_249 : i32 to index
        %parallel_loop3A_272 = arith.constant 48 : index
        %parallel_loop3A_273 = tpu.vector_load %arg16[%parallel_loop3A_271, %parallel_loop3A_272] {strides = array<i32>} : memref<40x128xf32, #tpu.memory_space<vmem>>, vector<16xf32>,
        tpu.vector_store %arg16[%parallel_loop3A_271, %parallel_loop3A_272], %parallel_loop3A_270 {add = true, strides = array<i32>} : memref<40x128xf32, #tpu.memory_space<vmem>>, vector<16xf32>,
        %parallel_loop3A_274 = arith.index_cast %parallel_loop3A_249 : i32 to index
        %parallel_loop3A_275 = arith.constant 64 : index
        %parallel_loop3A_276 = tpu.vector_load %arg11[%parallel_loop3A_274, %parallel_loop3A_275] {strides = array<i32>} : memref<40x128xf32, #tpu.memory_space<vmem>>, vector<16xf32>,
        %parallel_loop3A_277 = arith.index_cast %parallel_loop3A_249 : i32 to index
        %parallel_loop3A_278 = arith.constant 64 : index
        %parallel_loop3A_279 = tpu.vector_load %arg16[%parallel_loop3A_277, %parallel_loop3A_278] {strides = array<i32>} : memref<40x128xf32, #tpu.memory_space<vmem>>, vector<16xf32>,
        tpu.vector_store %arg16[%parallel_loop3A_277, %parallel_loop3A_278], %parallel_loop3A_276 {add = true, strides = array<i32>} : memref<40x128xf32, #tpu.memory_space<vmem>>, vector<16xf32>,
        %parallel_loop3A_280 = arith.index_cast %parallel_loop3A_249 : i32 to index
        %parallel_loop3A_281 = arith.constant 80 : index
        %parallel_loop3A_282 = tpu.vector_load %arg11[%parallel_loop3A_280, %parallel_loop3A_281] {strides = array<i32>} : memref<40x128xf32, #tpu.memory_space<vmem>>, vector<16xf32>,
        %parallel_loop3A_283 = arith.index_cast %parallel_loop3A_249 : i32 to index
        %parallel_loop3A_284 = arith.constant 80 : index
        %parallel_loop3A_285 = tpu.vector_load %arg16[%parallel_loop3A_283, %parallel_loop3A_284] {strides = array<i32>} : memref<40x128xf32, #tpu.memory_space<vmem>>, vector<16xf32>,
        tpu.vector_store %arg16[%parallel_loop3A_283, %parallel_loop3A_284], %parallel_loop3A_282 {add = true, strides = array<i32>} : memref<40x128xf32, #tpu.memory_space<vmem>>, vector<16xf32>,
        %parallel_loop3A_286 = arith.index_cast %parallel_loop3A_249 : i32 to index
        %parallel_loop3A_287 = arith.constant 96 : index
        %parallel_loop3A_288 = tpu.vector_load %arg11[%parallel_loop3A_286, %parallel_loop3A_287] {strides = array<i32>} : memref<40x128xf32, #tpu.memory_space<vmem>>, vector<16xf32>,
        %parallel_loop3A_289 = arith.index_cast %parallel_loop3A_249 : i32 to index
        %parallel_loop3A_290 = arith.constant 96 : index
        %parallel_loop3A_291 = tpu.vector_load %arg16[%parallel_loop3A_289, %parallel_loop3A_290] {strides = array<i32>} : memref<40x128xf32, #tpu.memory_space<vmem>>, vector<16xf32>,
        tpu.vector_store %arg16[%parallel_loop3A_289, %parallel_loop3A_290], %parallel_loop3A_288 {add = true, strides = array<i32>} : memref<40x128xf32, #tpu.memory_space<vmem>>, vector<16xf32>,
        %parallel_loop3A_292 = arith.index_cast %parallel_loop3A_249 : i32 to index
        %parallel_loop3A_293 = arith.constant 112 : index
        %parallel_loop3A_294 = tpu.vector_load %arg11[%parallel_loop3A_292, %parallel_loop3A_293] {strides = array<i32>} : memref<40x128xf32, #tpu.memory_space<vmem>>, vector<16xf32>,
        %parallel_loop3A_295 = arith.index_cast %parallel_loop3A_249 : i32 to index
        %parallel_loop3A_296 = arith.constant 112 : index
        %parallel_loop3A_297 = tpu.vector_load %arg16[%parallel_loop3A_295, %parallel_loop3A_296] {strides = array<i32>} : memref<40x128xf32, #tpu.memory_space<vmem>>, vector<16xf32>,
        tpu.vector_store %arg16[%parallel_loop3A_295, %parallel_loop3A_296], %parallel_loop3A_294 {add = true, strides = array<i32>} : memref<40x128xf32, #tpu.memory_space<vmem>>, vector<16xf32>,
      } {sc.loop_unroll_factor = 2 : i64, sc.parallel_access}
      %mul3A_104 = arith.constant 40 : i32
      %mul3A_105 = arith.muli %add3A_92, %mul3A_104 : i32
      %add3A_106 = arith.addi %mul3A_2, %mul3A_105 : i32
      %dma_start3A_107 = arith.constant 0 : i32
      %dma_start3A_108 = tpu.memref_slice %arg5[%add3A_106, %dma_start3A_107] : memref<160000x128xf32, #tpu.memory_space<hbm>> -> memref<40x128xf32, #tpu.memory_space<hbm>>
      %dma_start3A_109 = arith.constant 0 : i32
      %dma_start3A_110 = tpu.memref_slice %arg5[%add3A_106, %dma_start3A_109] : memref<160000x128xf32, #tpu.memory_space<hbm>> -> memref<40x128xf32, #tpu.memory_space<hbm>>
      tpu.enqueue_dma source(%arg16 : memref<40x128xf32, #tpu.memory_space<vmem>>) target(%dma_start3A_110 : memref<40x128xf32, #tpu.memory_space<hbm>>) target_semaphore(%arg31 : memref<!tpu.dma_semaphore, #tpu.memory_space<semaphore_mem>>)
      %dma_wait3A_111 = arith.constant 0 : i32
      %dma_wait3A_112 = tpu.memref_slice %arg5[%mul3A_2, %dma_wait3A_111] : memref<160000x128xf32, #tpu.memory_space<hbm>> -> memref<40x128xf32, #tpu.memory_space<hbm>>
      %dma_wait3A_113 = arith.constant 0 : i32
      %dma_wait3A_114 = tpu.memref_slice %arg5[%mul3A_2, %dma_wait3A_113] : memref<160000x128xf32, #tpu.memory_space<hbm>> -> memref<40x128xf32, #tpu.memory_space<hbm>>
      tpu.wait_dma2 semaphore(%arg31 : memref<!tpu.dma_semaphore, #tpu.memory_space<semaphore_mem>>) src(%arg16 : memref<40x128xf32, #tpu.memory_space<vmem>>) dst(%dma_wait3A_114 : memref<40x128xf32, #tpu.memory_space<hbm>>)
      %lt3A = arith.constant 24 : i32
      %lt3A_115 = arith.cmpi slt, %scan3A_88, %lt3A : i32
      %convert_element_type3A = arith.extui %lt3A_115 : i1 to i32
      %cond3A = arith.constant 0 : i32
      %cond3A_116 = arith.cmpi ne, %convert_element_type3A, %cond3A : i32
      scf.if %cond3A_116 {
        %add3A_249 = arith.constant 5 : i32
        %add3A_250 = arith.addi %add3A_92, %add3A_249 : i32
        %mul3A_251 = arith.constant 40 : i32
        %mul3A_252 = arith.muli %add3A_250, %mul3A_251 : i32
        %dma_start3A_253 = tpu.memref_slice %arg8[%mul3A_252] : memref<5008xi32, #tpu.memory_space<vmem>> -> memref<40xi32, #tpu.memory_space<vmem>>
        %dma_start3A_254 = arith.constant 0 : i32
        %dma_start3A_255 = arith.constant 0 : i32
        %dma_start3A_256 = tpu.memref_slice %arg2[%dma_start3A_254, %dma_start3A_255] : memref<10000x128xf32, #tpu.memory_space<hbm>> -> memref<10000x128xf32, #tpu.memory_space<hbm>>
        tpu.enqueue_indirect_dma source(%dma_start3A_256 : memref<10000x128xf32, #tpu.memory_space<hbm>>) target(%arg11 : memref<40x128xf32, #tpu.memory_space<vmem>>) offsets(%dma_start3A_253 : memref<40xi32, #tpu.memory_space<vmem>>) semaphore(%arg21 : memref<!tpu.dma_semaphore, #tpu.memory_space<semaphore_mem>>)
        %add3A_257 = arith.constant 5 : i32
        %add3A_258 = arith.addi %add3A_92, %add3A_257 : i32
        %mul3A_259 = arith.constant 40 : i32
        %mul3A_260 = arith.muli %add3A_258, %mul3A_259 : i32
        %dma_start3A_261 = tpu.memref_slice %arg9[%mul3A_260] : memref<5008xi32, #tpu.memory_space<vmem>> -> memref<40xi32, #tpu.memory_space<vmem>>
        %dma_start3A_262 = arith.constant 0 : i32
        %dma_start3A_263 = arith.constant 0 : i32
        %dma_start3A_264 = tpu.memref_slice %arg2[%dma_start3A_262, %dma_start3A_263] : memref<10000x128xf32, #tpu.memory_space<hbm>> -> memref<10000x128xf32, #tpu.memory_space<hbm>>
        tpu.enqueue_indirect_dma source(%dma_start3A_264 : memref<10000x128xf32, #tpu.memory_space<hbm>>) target(%arg16 : memref<40x128xf32, #tpu.memory_space<vmem>>) offsets(%dma_start3A_261 : memref<40xi32, #tpu.memory_space<vmem>>) semaphore(%arg26 : memref<!tpu.dma_semaphore, #tpu.memory_space<semaphore_mem>>)
      } else {
      }
      %mul3A_117 = arith.constant 5 : i32
      %mul3A_118 = arith.muli %scan3A_88, %mul3A_117 : i32
      %add3A_119 = arith.constant 1 : i32
      %add3A_120 = arith.addi %mul3A_118, %add3A_119 : i32
      %dma_wait3A_121 = arith.constant 0 : i32
      %dma_wait3A_122 = tpu.memref_slice %arg8[%dma_wait3A_121] : memref<5008xi32, #tpu.memory_space<vmem>> -> memref<40xi32, #tpu.memory_space<vmem>>
      %dma_wait3A_123 = arith.constant 0 : i32
      %dma_wait3A_124 = arith.constant 0 : i32
      %dma_wait3A_125 = tpu.memref_slice %arg2[%dma_wait3A_123, %dma_wait3A_124] : memref<10000x128xf32, #tpu.memory_space<hbm>> -> memref<10000x128xf32, #tpu.memory_space<hbm>>
      tpu.wait_indirect_dma semaphore(%arg22 : memref<!tpu.dma_semaphore, #tpu.memory_space<semaphore_mem>>) src(%dma_wait3A_125 : memref<10000x128xf32, #tpu.memory_space<hbm>>) dst(%arg12 : memref<40x128xf32, #tpu.memory_space<vmem>>)
      %dma_wait3A_126 = arith.constant 0 : i32
      %dma_wait3A_127 = tpu.memref_slice %arg9[%dma_wait3A_126] : memref<5008xi32, #tpu.memory_space<vmem>> -> memref<40xi32, #tpu.memory_space<vmem>>
      %dma_wait3A_128 = arith.constant 0 : i32
      %dma_wait3A_129 = arith.constant 0 : i32
      %dma_wait3A_130 = tpu.memref_slice %arg2[%dma_wait3A_128, %dma_wait3A_129] : memref<10000x128xf32, #tpu.memory_space<hbm>> -> memref<10000x128xf32, #tpu.memory_space<hbm>>
      tpu.wait_indirect_dma semaphore(%arg27 : memref<!tpu.dma_semaphore, #tpu.memory_space<semaphore_mem>>) src(%dma_wait3A_130 : memref<10000x128xf32, #tpu.memory_space<hbm>>) dst(%arg17 : memref<40x128xf32, #tpu.memory_space<vmem>>)
      %parallel_loop3A_131 = arith.constant 0 : i32
      %parallel_loop3A_132 = arith.constant 40 : i32
      %parallel_loop3A_133 = arith.constant 1 : i32
      scf.for %parallel_loop3A_249 = %parallel_loop3A_131 to %parallel_loop3A_132 step %parallel_loop3A_133  : i32 {
        %parallel_loop3A_250 = arith.index_cast %parallel_loop3A_249 : i32 to index
        %parallel_loop3A_251 = arith.constant 0 : index
        %parallel_loop3A_252 = tpu.vector_load %arg12[%parallel_loop3A_250, %parallel_loop3A_251] {strides = array<i32>} : memref<40x128xf32, #tpu.memory_space<vmem>>, vector<16xf32>,
        %parallel_loop3A_253 = arith.index_cast %parallel_loop3A_249 : i32 to index
        %parallel_loop3A_254 = arith.constant 0 : index
        %parallel_loop3A_255 = tpu.vector_load %arg17[%parallel_loop3A_253, %parallel_loop3A_254] {strides = array<i32>} : memref<40x128xf32, #tpu.memory_space<vmem>>, vector<16xf32>,
        tpu.vector_store %arg17[%parallel_loop3A_253, %parallel_loop3A_254], %parallel_loop3A_252 {add = true, strides = array<i32>} : memref<40x128xf32, #tpu.memory_space<vmem>>, vector<16xf32>,
        %parallel_loop3A_256 = arith.index_cast %parallel_loop3A_249 : i32 to index
        %parallel_loop3A_257 = arith.constant 16 : index
        %parallel_loop3A_258 = tpu.vector_load %arg12[%parallel_loop3A_256, %parallel_loop3A_257] {strides = array<i32>} : memref<40x128xf32, #tpu.memory_space<vmem>>, vector<16xf32>,
        %parallel_loop3A_259 = arith.index_cast %parallel_loop3A_249 : i32 to index
        %parallel_loop3A_260 = arith.constant 16 : index
        %parallel_loop3A_261 = tpu.vector_load %arg17[%parallel_loop3A_259, %parallel_loop3A_260] {strides = array<i32>} : memref<40x128xf32, #tpu.memory_space<vmem>>, vector<16xf32>,
        tpu.vector_store %arg17[%parallel_loop3A_259, %parallel_loop3A_260], %parallel_loop3A_258 {add = true, strides = array<i32>} : memref<40x128xf32, #tpu.memory_space<vmem>>, vector<16xf32>,
        %parallel_loop3A_262 = arith.index_cast %parallel_loop3A_249 : i32 to index
        %parallel_loop3A_263 = arith.constant 32 : index
        %parallel_loop3A_264 = tpu.vector_load %arg12[%parallel_loop3A_262, %parallel_loop3A_263] {strides = array<i32>} : memref<40x128xf32, #tpu.memory_space<vmem>>, vector<16xf32>,
        %parallel_loop3A_265 = arith.index_cast %parallel_loop3A_249 : i32 to index
        %parallel_loop3A_266 = arith.constant 32 : index
        %parallel_loop3A_267 = tpu.vector_load %arg17[%parallel_loop3A_265, %parallel_loop3A_266] {strides = array<i32>} : memref<40x128xf32, #tpu.memory_space<vmem>>, vector<16xf32>,
        tpu.vector_store %arg17[%parallel_loop3A_265, %parallel_loop3A_266], %parallel_loop3A_264 {add = true, strides = array<i32>} : memref<40x128xf32, #tpu.memory_space<vmem>>, vector<16xf32>,
        %parallel_loop3A_268 = arith.index_cast %parallel_loop3A_249 : i32 to index
        %parallel_loop3A_269 = arith.constant 48 : index
        %parallel_loop3A_270 = tpu.vector_load %arg12[%parallel_loop3A_268, %parallel_loop3A_269] {strides = array<i32>} : memref<40x128xf32, #tpu.memory_space<vmem>>, vector<16xf32>,
        %parallel_loop3A_271 = arith.index_cast %parallel_loop3A_249 : i32 to index
        %parallel_loop3A_272 = arith.constant 48 : index
        %parallel_loop3A_273 = tpu.vector_load %arg17[%parallel_loop3A_271, %parallel_loop3A_272] {strides = array<i32>} : memref<40x128xf32, #tpu.memory_space<vmem>>, vector<16xf32>,
        tpu.vector_store %arg17[%parallel_loop3A_271, %parallel_loop3A_272], %parallel_loop3A_270 {add = true, strides = array<i32>} : memref<40x128xf32, #tpu.memory_space<vmem>>, vector<16xf32>,
        %parallel_loop3A_274 = arith.index_cast %parallel_loop3A_249 : i32 to index
        %parallel_loop3A_275 = arith.constant 64 : index
        %parallel_loop3A_276 = tpu.vector_load %arg12[%parallel_loop3A_274, %parallel_loop3A_275] {strides = array<i32>} : memref<40x128xf32, #tpu.memory_space<vmem>>, vector<16xf32>,
        %parallel_loop3A_277 = arith.index_cast %parallel_loop3A_249 : i32 to index
        %parallel_loop3A_278 = arith.constant 64 : index
        %parallel_loop3A_279 = tpu.vector_load %arg17[%parallel_loop3A_277, %parallel_loop3A_278] {strides = array<i32>} : memref<40x128xf32, #tpu.memory_space<vmem>>, vector<16xf32>,
        tpu.vector_store %arg17[%parallel_loop3A_277, %parallel_loop3A_278], %parallel_loop3A_276 {add = true, strides = array<i32>} : memref<40x128xf32, #tpu.memory_space<vmem>>, vector<16xf32>,
        %parallel_loop3A_280 = arith.index_cast %parallel_loop3A_249 : i32 to index
        %parallel_loop3A_281 = arith.constant 80 : index
        %parallel_loop3A_282 = tpu.vector_load %arg12[%parallel_loop3A_280, %parallel_loop3A_281] {strides = array<i32>} : memref<40x128xf32, #tpu.memory_space<vmem>>, vector<16xf32>,
        %parallel_loop3A_283 = arith.index_cast %parallel_loop3A_249 : i32 to index
        %parallel_loop3A_284 = arith.constant 80 : index
        %parallel_loop3A_285 = tpu.vector_load %arg17[%parallel_loop3A_283, %parallel_loop3A_284] {strides = array<i32>} : memref<40x128xf32, #tpu.memory_space<vmem>>, vector<16xf32>,
        tpu.vector_store %arg17[%parallel_loop3A_283, %parallel_loop3A_284], %parallel_loop3A_282 {add = true, strides = array<i32>} : memref<40x128xf32, #tpu.memory_space<vmem>>, vector<16xf32>,
        %parallel_loop3A_286 = arith.index_cast %parallel_loop3A_249 : i32 to index
        %parallel_loop3A_287 = arith.constant 96 : index
        %parallel_loop3A_288 = tpu.vector_load %arg12[%parallel_loop3A_286, %parallel_loop3A_287] {strides = array<i32>} : memref<40x128xf32, #tpu.memory_space<vmem>>, vector<16xf32>,
        %parallel_loop3A_289 = arith.index_cast %parallel_loop3A_249 : i32 to index
        %parallel_loop3A_290 = arith.constant 96 : index
        %parallel_loop3A_291 = tpu.vector_load %arg17[%parallel_loop3A_289, %parallel_loop3A_290] {strides = array<i32>} : memref<40x128xf32, #tpu.memory_space<vmem>>, vector<16xf32>,
        tpu.vector_store %arg17[%parallel_loop3A_289, %parallel_loop3A_290], %parallel_loop3A_288 {add = true, strides = array<i32>} : memref<40x128xf32, #tpu.memory_space<vmem>>, vector<16xf32>,
        %parallel_loop3A_292 = arith.index_cast %parallel_loop3A_249 : i32 to index
        %parallel_loop3A_293 = arith.constant 112 : index
        %parallel_loop3A_294 = tpu.vector_load %arg12[%parallel_loop3A_292, %parallel_loop3A_293] {strides = array<i32>} : memref<40x128xf32, #tpu.memory_space<vmem>>, vector<16xf32>,
        %parallel_loop3A_295 = arith.index_cast %parallel_loop3A_249 : i32 to index
        %parallel_loop3A_296 = arith.constant 112 : index
        %parallel_loop3A_297 = tpu.vector_load %arg17[%parallel_loop3A_295, %parallel_loop3A_296] {strides = array<i32>} : memref<40x128xf32, #tpu.memory_space<vmem>>, vector<16xf32>,
        tpu.vector_store %arg17[%parallel_loop3A_295, %parallel_loop3A_296], %parallel_loop3A_294 {add = true, strides = array<i32>} : memref<40x128xf32, #tpu.memory_space<vmem>>, vector<16xf32>,
      } {sc.loop_unroll_factor = 2 : i64, sc.parallel_access}
      %mul3A_134 = arith.constant 40 : i32
      %mul3A_135 = arith.muli %add3A_120, %mul3A_134 : i32
      %add3A_136 = arith.addi %mul3A_2, %mul3A_135 : i32
      %dma_start3A_137 = arith.constant 0 : i32
      %dma_start3A_138 = tpu.memref_slice %arg5[%add3A_136, %dma_start3A_137] : memref<160000x128xf32, #tpu.memory_space<hbm>> -> memref<40x128xf32, #tpu.memory_space<hbm>>
      %dma_start3A_139 = arith.constant 0 : i32
      %dma_start3A_140 = tpu.memref_slice %arg5[%add3A_136, %dma_start3A_139] : memref<160000x128xf32, #tpu.memory_space<hbm>> -> memref<40x128xf32, #tpu.memory_space<hbm>>
      tpu.enqueue_dma source(%arg17 : memref<40x128xf32, #tpu.memory_space<vmem>>) target(%dma_start3A_140 : memref<40x128xf32, #tpu.memory_space<hbm>>) target_semaphore(%arg32 : memref<!tpu.dma_semaphore, #tpu.memory_space<semaphore_mem>>)
      %dma_wait3A_141 = arith.constant 0 : i32
      %dma_wait3A_142 = tpu.memref_slice %arg5[%mul3A_2, %dma_wait3A_141] : memref<160000x128xf32, #tpu.memory_space<hbm>> -> memref<40x128xf32, #tpu.memory_space<hbm>>
      %dma_wait3A_143 = arith.constant 0 : i32
      %dma_wait3A_144 = tpu.memref_slice %arg5[%mul3A_2, %dma_wait3A_143] : memref<160000x128xf32, #tpu.memory_space<hbm>> -> memref<40x128xf32, #tpu.memory_space<hbm>>
      tpu.wait_dma2 semaphore(%arg32 : memref<!tpu.dma_semaphore, #tpu.memory_space<semaphore_mem>>) src(%arg17 : memref<40x128xf32, #tpu.memory_space<vmem>>) dst(%dma_wait3A_144 : memref<40x128xf32, #tpu.memory_space<hbm>>)
      %lt3A_145 = arith.constant 24 : i32
      %lt3A_146 = arith.cmpi slt, %scan3A_88, %lt3A_145 : i32
      %convert_element_type3A_147 = arith.extui %lt3A_146 : i1 to i32
      %cond3A_148 = arith.constant 0 : i32
      %cond3A_149 = arith.cmpi ne, %convert_element_type3A_147, %cond3A_148 : i32
      scf.if %cond3A_149 {
        %add3A_249 = arith.constant 5 : i32
        %add3A_250 = arith.addi %add3A_120, %add3A_249 : i32
        %mul3A_251 = arith.constant 40 : i32
        %mul3A_252 = arith.muli %add3A_250, %mul3A_251 : i32
        %dma_start3A_253 = tpu.memref_slice %arg8[%mul3A_252] : memref<5008xi32, #tpu.memory_space<vmem>> -> memref<40xi32, #tpu.memory_space<vmem>>
        %dma_start3A_254 = arith.constant 0 : i32
        %dma_start3A_255 = arith.constant 0 : i32
        %dma_start3A_256 = tpu.memref_slice %arg2[%dma_start3A_254, %dma_start3A_255] : memref<10000x128xf32, #tpu.memory_space<hbm>> -> memref<10000x128xf32, #tpu.memory_space<hbm>>
        tpu.enqueue_indirect_dma source(%dma_start3A_256 : memref<10000x128xf32, #tpu.memory_space<hbm>>) target(%arg12 : memref<40x128xf32, #tpu.memory_space<vmem>>) offsets(%dma_start3A_253 : memref<40xi32, #tpu.memory_space<vmem>>) semaphore(%arg22 : memref<!tpu.dma_semaphore, #tpu.memory_space<semaphore_mem>>)
        %add3A_257 = arith.constant 5 : i32
        %add3A_258 = arith.addi %add3A_120, %add3A_257 : i32
        %mul3A_259 = arith.constant 40 : i32
        %mul3A_260 = arith.muli %add3A_258, %mul3A_259 : i32
        %dma_start3A_261 = tpu.memref_slice %arg9[%mul3A_260] : memref<5008xi32, #tpu.memory_space<vmem>> -> memref<40xi32, #tpu.memory_space<vmem>>
        %dma_start3A_262 = arith.constant 0 : i32
        %dma_start3A_263 = arith.constant 0 : i32
        %dma_start3A_264 = tpu.memref_slice %arg2[%dma_start3A_262, %dma_start3A_263] : memref<10000x128xf32, #tpu.memory_space<hbm>> -> memref<10000x128xf32, #tpu.memory_space<hbm>>
        tpu.enqueue_indirect_dma source(%dma_start3A_264 : memref<10000x128xf32, #tpu.memory_space<hbm>>) target(%arg17 : memref<40x128xf32, #tpu.memory_space<vmem>>) offsets(%dma_start3A_261 : memref<40xi32, #tpu.memory_space<vmem>>) semaphore(%arg27 : memref<!tpu.dma_semaphore, #tpu.memory_space<semaphore_mem>>)
      } else {
      }
      %mul3A_150 = arith.constant 5 : i32
      %mul3A_151 = arith.muli %scan3A_88, %mul3A_150 : i32
      %add3A_152 = arith.constant 2 : i32
      %add3A_153 = arith.addi %mul3A_151, %add3A_152 : i32
      %dma_wait3A_154 = arith.constant 0 : i32
      %dma_wait3A_155 = tpu.memref_slice %arg8[%dma_wait3A_154] : memref<5008xi32, #tpu.memory_space<vmem>> -> memref<40xi32, #tpu.memory_space<vmem>>
      %dma_wait3A_156 = arith.constant 0 : i32
      %dma_wait3A_157 = arith.constant 0 : i32
      %dma_wait3A_158 = tpu.memref_slice %arg2[%dma_wait3A_156, %dma_wait3A_157] : memref<10000x128xf32, #tpu.memory_space<hbm>> -> memref<10000x128xf32, #tpu.memory_space<hbm>>
      tpu.wait_indirect_dma semaphore(%arg23 : memref<!tpu.dma_semaphore, #tpu.memory_space<semaphore_mem>>) src(%dma_wait3A_158 : memref<10000x128xf32, #tpu.memory_space<hbm>>) dst(%arg13 : memref<40x128xf32, #tpu.memory_space<vmem>>)
      %dma_wait3A_159 = arith.constant 0 : i32
      %dma_wait3A_160 = tpu.memref_slice %arg9[%dma_wait3A_159] : memref<5008xi32, #tpu.memory_space<vmem>> -> memref<40xi32, #tpu.memory_space<vmem>>
      %dma_wait3A_161 = arith.constant 0 : i32
      %dma_wait3A_162 = arith.constant 0 : i32
      %dma_wait3A_163 = tpu.memref_slice %arg2[%dma_wait3A_161, %dma_wait3A_162] : memref<10000x128xf32, #tpu.memory_space<hbm>> -> memref<10000x128xf32, #tpu.memory_space<hbm>>
      tpu.wait_indirect_dma semaphore(%arg28 : memref<!tpu.dma_semaphore, #tpu.memory_space<semaphore_mem>>) src(%dma_wait3A_163 : memref<10000x128xf32, #tpu.memory_space<hbm>>) dst(%arg18 : memref<40x128xf32, #tpu.memory_space<vmem>>)
      %parallel_loop3A_164 = arith.constant 0 : i32
      %parallel_loop3A_165 = arith.constant 40 : i32
      %parallel_loop3A_166 = arith.constant 1 : i32
      scf.for %parallel_loop3A_249 = %parallel_loop3A_164 to %parallel_loop3A_165 step %parallel_loop3A_166  : i32 {
        %parallel_loop3A_250 = arith.index_cast %parallel_loop3A_249 : i32 to index
        %parallel_loop3A_251 = arith.constant 0 : index
        %parallel_loop3A_252 = tpu.vector_load %arg13[%parallel_loop3A_250, %parallel_loop3A_251] {strides = array<i32>} : memref<40x128xf32, #tpu.memory_space<vmem>>, vector<16xf32>,
        %parallel_loop3A_253 = arith.index_cast %parallel_loop3A_249 : i32 to index
        %parallel_loop3A_254 = arith.constant 0 : index
        %parallel_loop3A_255 = tpu.vector_load %arg18[%parallel_loop3A_253, %parallel_loop3A_254] {strides = array<i32>} : memref<40x128xf32, #tpu.memory_space<vmem>>, vector<16xf32>,
        tpu.vector_store %arg18[%parallel_loop3A_253, %parallel_loop3A_254], %parallel_loop3A_252 {add = true, strides = array<i32>} : memref<40x128xf32, #tpu.memory_space<vmem>>, vector<16xf32>,
        %parallel_loop3A_256 = arith.index_cast %parallel_loop3A_249 : i32 to index
        %parallel_loop3A_257 = arith.constant 16 : index
        %parallel_loop3A_258 = tpu.vector_load %arg13[%parallel_loop3A_256, %parallel_loop3A_257] {strides = array<i32>} : memref<40x128xf32, #tpu.memory_space<vmem>>, vector<16xf32>,
        %parallel_loop3A_259 = arith.index_cast %parallel_loop3A_249 : i32 to index
        %parallel_loop3A_260 = arith.constant 16 : index
        %parallel_loop3A_261 = tpu.vector_load %arg18[%parallel_loop3A_259, %parallel_loop3A_260] {strides = array<i32>} : memref<40x128xf32, #tpu.memory_space<vmem>>, vector<16xf32>,
        tpu.vector_store %arg18[%parallel_loop3A_259, %parallel_loop3A_260], %parallel_loop3A_258 {add = true, strides = array<i32>} : memref<40x128xf32, #tpu.memory_space<vmem>>, vector<16xf32>,
        %parallel_loop3A_262 = arith.index_cast %parallel_loop3A_249 : i32 to index
        %parallel_loop3A_263 = arith.constant 32 : index
        %parallel_loop3A_264 = tpu.vector_load %arg13[%parallel_loop3A_262, %parallel_loop3A_263] {strides = array<i32>} : memref<40x128xf32, #tpu.memory_space<vmem>>, vector<16xf32>,
        %parallel_loop3A_265 = arith.index_cast %parallel_loop3A_249 : i32 to index
        %parallel_loop3A_266 = arith.constant 32 : index
        %parallel_loop3A_267 = tpu.vector_load %arg18[%parallel_loop3A_265, %parallel_loop3A_266] {strides = array<i32>} : memref<40x128xf32, #tpu.memory_space<vmem>>, vector<16xf32>,
        tpu.vector_store %arg18[%parallel_loop3A_265, %parallel_loop3A_266], %parallel_loop3A_264 {add = true, strides = array<i32>} : memref<40x128xf32, #tpu.memory_space<vmem>>, vector<16xf32>,
        %parallel_loop3A_268 = arith.index_cast %parallel_loop3A_249 : i32 to index
        %parallel_loop3A_269 = arith.constant 48 : index
        %parallel_loop3A_270 = tpu.vector_load %arg13[%parallel_loop3A_268, %parallel_loop3A_269] {strides = array<i32>} : memref<40x128xf32, #tpu.memory_space<vmem>>, vector<16xf32>,
        %parallel_loop3A_271 = arith.index_cast %parallel_loop3A_249 : i32 to index
        %parallel_loop3A_272 = arith.constant 48 : index
        %parallel_loop3A_273 = tpu.vector_load %arg18[%parallel_loop3A_271, %parallel_loop3A_272] {strides = array<i32>} : memref<40x128xf32, #tpu.memory_space<vmem>>, vector<16xf32>,
        tpu.vector_store %arg18[%parallel_loop3A_271, %parallel_loop3A_272], %parallel_loop3A_270 {add = true, strides = array<i32>} : memref<40x128xf32, #tpu.memory_space<vmem>>, vector<16xf32>,
        %parallel_loop3A_274 = arith.index_cast %parallel_loop3A_249 : i32 to index
        %parallel_loop3A_275 = arith.constant 64 : index
        %parallel_loop3A_276 = tpu.vector_load %arg13[%parallel_loop3A_274, %parallel_loop3A_275] {strides = array<i32>} : memref<40x128xf32, #tpu.memory_space<vmem>>, vector<16xf32>,
        %parallel_loop3A_277 = arith.index_cast %parallel_loop3A_249 : i32 to index
        %parallel_loop3A_278 = arith.constant 64 : index
        %parallel_loop3A_279 = tpu.vector_load %arg18[%parallel_loop3A_277, %parallel_loop3A_278] {strides = array<i32>} : memref<40x128xf32, #tpu.memory_space<vmem>>, vector<16xf32>,
        tpu.vector_store %arg18[%parallel_loop3A_277, %parallel_loop3A_278], %parallel_loop3A_276 {add = true, strides = array<i32>} : memref<40x128xf32, #tpu.memory_space<vmem>>, vector<16xf32>,
        %parallel_loop3A_280 = arith.index_cast %parallel_loop3A_249 : i32 to index
        %parallel_loop3A_281 = arith.constant 80 : index
        %parallel_loop3A_282 = tpu.vector_load %arg13[%parallel_loop3A_280, %parallel_loop3A_281] {strides = array<i32>} : memref<40x128xf32, #tpu.memory_space<vmem>>, vector<16xf32>,
        %parallel_loop3A_283 = arith.index_cast %parallel_loop3A_249 : i32 to index
        %parallel_loop3A_284 = arith.constant 80 : index
        %parallel_loop3A_285 = tpu.vector_load %arg18[%parallel_loop3A_283, %parallel_loop3A_284] {strides = array<i32>} : memref<40x128xf32, #tpu.memory_space<vmem>>, vector<16xf32>,
        tpu.vector_store %arg18[%parallel_loop3A_283, %parallel_loop3A_284], %parallel_loop3A_282 {add = true, strides = array<i32>} : memref<40x128xf32, #tpu.memory_space<vmem>>, vector<16xf32>,
        %parallel_loop3A_286 = arith.index_cast %parallel_loop3A_249 : i32 to index
        %parallel_loop3A_287 = arith.constant 96 : index
        %parallel_loop3A_288 = tpu.vector_load %arg13[%parallel_loop3A_286, %parallel_loop3A_287] {strides = array<i32>} : memref<40x128xf32, #tpu.memory_space<vmem>>, vector<16xf32>,
        %parallel_loop3A_289 = arith.index_cast %parallel_loop3A_249 : i32 to index
        %parallel_loop3A_290 = arith.constant 96 : index
        %parallel_loop3A_291 = tpu.vector_load %arg18[%parallel_loop3A_289, %parallel_loop3A_290] {strides = array<i32>} : memref<40x128xf32, #tpu.memory_space<vmem>>, vector<16xf32>,
        tpu.vector_store %arg18[%parallel_loop3A_289, %parallel_loop3A_290], %parallel_loop3A_288 {add = true, strides = array<i32>} : memref<40x128xf32, #tpu.memory_space<vmem>>, vector<16xf32>,
        %parallel_loop3A_292 = arith.index_cast %parallel_loop3A_249 : i32 to index
        %parallel_loop3A_293 = arith.constant 112 : index
        %parallel_loop3A_294 = tpu.vector_load %arg13[%parallel_loop3A_292, %parallel_loop3A_293] {strides = array<i32>} : memref<40x128xf32, #tpu.memory_space<vmem>>, vector<16xf32>,
        %parallel_loop3A_295 = arith.index_cast %parallel_loop3A_249 : i32 to index
        %parallel_loop3A_296 = arith.constant 112 : index
        %parallel_loop3A_297 = tpu.vector_load %arg18[%parallel_loop3A_295, %parallel_loop3A_296] {strides = array<i32>} : memref<40x128xf32, #tpu.memory_space<vmem>>, vector<16xf32>,
        tpu.vector_store %arg18[%parallel_loop3A_295, %parallel_loop3A_296], %parallel_loop3A_294 {add = true, strides = array<i32>} : memref<40x128xf32, #tpu.memory_space<vmem>>, vector<16xf32>,
      } {sc.loop_unroll_factor = 2 : i64, sc.parallel_access}
      %mul3A_167 = arith.constant 40 : i32
      %mul3A_168 = arith.muli %add3A_153, %mul3A_167 : i32
      %add3A_169 = arith.addi %mul3A_2, %mul3A_168 : i32
      %dma_start3A_170 = arith.constant 0 : i32
      %dma_start3A_171 = tpu.memref_slice %arg5[%add3A_169, %dma_start3A_170] : memref<160000x128xf32, #tpu.memory_space<hbm>> -> memref<40x128xf32, #tpu.memory_space<hbm>>
      %dma_start3A_172 = arith.constant 0 : i32
      %dma_start3A_173 = tpu.memref_slice %arg5[%add3A_169, %dma_start3A_172] : memref<160000x128xf32, #tpu.memory_space<hbm>> -> memref<40x128xf32, #tpu.memory_space<hbm>>
      tpu.enqueue_dma source(%arg18 : memref<40x128xf32, #tpu.memory_space<vmem>>) target(%dma_start3A_173 : memref<40x128xf32, #tpu.memory_space<hbm>>) target_semaphore(%arg33 : memref<!tpu.dma_semaphore, #tpu.memory_space<semaphore_mem>>)
      %dma_wait3A_174 = arith.constant 0 : i32
      %dma_wait3A_175 = tpu.memref_slice %arg5[%mul3A_2, %dma_wait3A_174] : memref<160000x128xf32, #tpu.memory_space<hbm>> -> memref<40x128xf32, #tpu.memory_space<hbm>>
      %dma_wait3A_176 = arith.constant 0 : i32
      %dma_wait3A_177 = tpu.memref_slice %arg5[%mul3A_2, %dma_wait3A_176] : memref<160000x128xf32, #tpu.memory_space<hbm>> -> memref<40x128xf32, #tpu.memory_space<hbm>>
      tpu.wait_dma2 semaphore(%arg33 : memref<!tpu.dma_semaphore, #tpu.memory_space<semaphore_mem>>) src(%arg18 : memref<40x128xf32, #tpu.memory_space<vmem>>) dst(%dma_wait3A_177 : memref<40x128xf32, #tpu.memory_space<hbm>>)
      %lt3A_178 = arith.constant 24 : i32
      %lt3A_179 = arith.cmpi slt, %scan3A_88, %lt3A_178 : i32
      %convert_element_type3A_180 = arith.extui %lt3A_179 : i1 to i32
      %cond3A_181 = arith.constant 0 : i32
      %cond3A_182 = arith.cmpi ne, %convert_element_type3A_180, %cond3A_181 : i32
      scf.if %cond3A_182 {
        %add3A_249 = arith.constant 5 : i32
        %add3A_250 = arith.addi %add3A_153, %add3A_249 : i32
        %mul3A_251 = arith.constant 40 : i32
        %mul3A_252 = arith.muli %add3A_250, %mul3A_251 : i32
        %dma_start3A_253 = tpu.memref_slice %arg8[%mul3A_252] : memref<5008xi32, #tpu.memory_space<vmem>> -> memref<40xi32, #tpu.memory_space<vmem>>
        %dma_start3A_254 = arith.constant 0 : i32
        %dma_start3A_255 = arith.constant 0 : i32
        %dma_start3A_256 = tpu.memref_slice %arg2[%dma_start3A_254, %dma_start3A_255] : memref<10000x128xf32, #tpu.memory_space<hbm>> -> memref<10000x128xf32, #tpu.memory_space<hbm>>
        tpu.enqueue_indirect_dma source(%dma_start3A_256 : memref<10000x128xf32, #tpu.memory_space<hbm>>) target(%arg13 : memref<40x128xf32, #tpu.memory_space<vmem>>) offsets(%dma_start3A_253 : memref<40xi32, #tpu.memory_space<vmem>>) semaphore(%arg23 : memref<!tpu.dma_semaphore, #tpu.memory_space<semaphore_mem>>)
        %add3A_257 = arith.constant 5 : i32
        %add3A_258 = arith.addi %add3A_153, %add3A_257 : i32
        %mul3A_259 = arith.constant 40 : i32
        %mul3A_260 = arith.muli %add3A_258, %mul3A_259 : i32
        %dma_start3A_261 = tpu.memref_slice %arg9[%mul3A_260] : memref<5008xi32, #tpu.memory_space<vmem>> -> memref<40xi32, #tpu.memory_space<vmem>>
        %dma_start3A_262 = arith.constant 0 : i32
        %dma_start3A_263 = arith.constant 0 : i32
        %dma_start3A_264 = tpu.memref_slice %arg2[%dma_start3A_262, %dma_start3A_263] : memref<10000x128xf32, #tpu.memory_space<hbm>> -> memref<10000x128xf32, #tpu.memory_space<hbm>>
        tpu.enqueue_indirect_dma source(%dma_start3A_264 : memref<10000x128xf32, #tpu.memory_space<hbm>>) target(%arg18 : memref<40x128xf32, #tpu.memory_space<vmem>>) offsets(%dma_start3A_261 : memref<40xi32, #tpu.memory_space<vmem>>) semaphore(%arg28 : memref<!tpu.dma_semaphore, #tpu.memory_space<semaphore_mem>>)
      } else {
      }
      %mul3A_183 = arith.constant 5 : i32
      %mul3A_184 = arith.muli %scan3A_88, %mul3A_183 : i32
      %add3A_185 = arith.constant 3 : i32
      %add3A_186 = arith.addi %mul3A_184, %add3A_185 : i32
      %dma_wait3A_187 = arith.constant 0 : i32
      %dma_wait3A_188 = tpu.memref_slice %arg8[%dma_wait3A_187] : memref<5008xi32, #tpu.memory_space<vmem>> -> memref<40xi32, #tpu.memory_space<vmem>>
      %dma_wait3A_189 = arith.constant 0 : i32
      %dma_wait3A_190 = arith.constant 0 : i32
      %dma_wait3A_191 = tpu.memref_slice %arg2[%dma_wait3A_189, %dma_wait3A_190] : memref<10000x128xf32, #tpu.memory_space<hbm>> -> memref<10000x128xf32, #tpu.memory_space<hbm>>
      tpu.wait_indirect_dma semaphore(%arg24 : memref<!tpu.dma_semaphore, #tpu.memory_space<semaphore_mem>>) src(%dma_wait3A_191 : memref<10000x128xf32, #tpu.memory_space<hbm>>) dst(%arg14 : memref<40x128xf32, #tpu.memory_space<vmem>>)
      %dma_wait3A_192 = arith.constant 0 : i32
      %dma_wait3A_193 = tpu.memref_slice %arg9[%dma_wait3A_192] : memref<5008xi32, #tpu.memory_space<vmem>> -> memref<40xi32, #tpu.memory_space<vmem>>
      %dma_wait3A_194 = arith.constant 0 : i32
      %dma_wait3A_195 = arith.constant 0 : i32
      %dma_wait3A_196 = tpu.memref_slice %arg2[%dma_wait3A_194, %dma_wait3A_195] : memref<10000x128xf32, #tpu.memory_space<hbm>> -> memref<10000x128xf32, #tpu.memory_space<hbm>>
      tpu.wait_indirect_dma semaphore(%arg29 : memref<!tpu.dma_semaphore, #tpu.memory_space<semaphore_mem>>) src(%dma_wait3A_196 : memref<10000x128xf32, #tpu.memory_space<hbm>>) dst(%arg19 : memref<40x128xf32, #tpu.memory_space<vmem>>)
      %parallel_loop3A_197 = arith.constant 0 : i32
      %parallel_loop3A_198 = arith.constant 40 : i32
      %parallel_loop3A_199 = arith.constant 1 : i32
      scf.for %parallel_loop3A_249 = %parallel_loop3A_197 to %parallel_loop3A_198 step %parallel_loop3A_199  : i32 {
        %parallel_loop3A_250 = arith.index_cast %parallel_loop3A_249 : i32 to index
        %parallel_loop3A_251 = arith.constant 0 : index
        %parallel_loop3A_252 = tpu.vector_load %arg14[%parallel_loop3A_250, %parallel_loop3A_251] {strides = array<i32>} : memref<40x128xf32, #tpu.memory_space<vmem>>, vector<16xf32>,
        %parallel_loop3A_253 = arith.index_cast %parallel_loop3A_249 : i32 to index
        %parallel_loop3A_254 = arith.constant 0 : index
        %parallel_loop3A_255 = tpu.vector_load %arg19[%parallel_loop3A_253, %parallel_loop3A_254] {strides = array<i32>} : memref<40x128xf32, #tpu.memory_space<vmem>>, vector<16xf32>,
        tpu.vector_store %arg19[%parallel_loop3A_253, %parallel_loop3A_254], %parallel_loop3A_252 {add = true, strides = array<i32>} : memref<40x128xf32, #tpu.memory_space<vmem>>, vector<16xf32>,
        %parallel_loop3A_256 = arith.index_cast %parallel_loop3A_249 : i32 to index
        %parallel_loop3A_257 = arith.constant 16 : index
        %parallel_loop3A_258 = tpu.vector_load %arg14[%parallel_loop3A_256, %parallel_loop3A_257] {strides = array<i32>} : memref<40x128xf32, #tpu.memory_space<vmem>>, vector<16xf32>,
        %parallel_loop3A_259 = arith.index_cast %parallel_loop3A_249 : i32 to index
        %parallel_loop3A_260 = arith.constant 16 : index
        %parallel_loop3A_261 = tpu.vector_load %arg19[%parallel_loop3A_259, %parallel_loop3A_260] {strides = array<i32>} : memref<40x128xf32, #tpu.memory_space<vmem>>, vector<16xf32>,
        tpu.vector_store %arg19[%parallel_loop3A_259, %parallel_loop3A_260], %parallel_loop3A_258 {add = true, strides = array<i32>} : memref<40x128xf32, #tpu.memory_space<vmem>>, vector<16xf32>,
        %parallel_loop3A_262 = arith.index_cast %parallel_loop3A_249 : i32 to index
        %parallel_loop3A_263 = arith.constant 32 : index
        %parallel_loop3A_264 = tpu.vector_load %arg14[%parallel_loop3A_262, %parallel_loop3A_263] {strides = array<i32>} : memref<40x128xf32, #tpu.memory_space<vmem>>, vector<16xf32>,
        %parallel_loop3A_265 = arith.index_cast %parallel_loop3A_249 : i32 to index
        %parallel_loop3A_266 = arith.constant 32 : index
        %parallel_loop3A_267 = tpu.vector_load %arg19[%parallel_loop3A_265, %parallel_loop3A_266] {strides = array<i32>} : memref<40x128xf32, #tpu.memory_space<vmem>>, vector<16xf32>,
        tpu.vector_store %arg19[%parallel_loop3A_265, %parallel_loop3A_266], %parallel_loop3A_264 {add = true, strides = array<i32>} : memref<40x128xf32, #tpu.memory_space<vmem>>, vector<16xf32>,
        %parallel_loop3A_268 = arith.index_cast %parallel_loop3A_249 : i32 to index
        %parallel_loop3A_269 = arith.constant 48 : index
        %parallel_loop3A_270 = tpu.vector_load %arg14[%parallel_loop3A_268, %parallel_loop3A_269] {strides = array<i32>} : memref<40x128xf32, #tpu.memory_space<vmem>>, vector<16xf32>,
        %parallel_loop3A_271 = arith.index_cast %parallel_loop3A_249 : i32 to index
        %parallel_loop3A_272 = arith.constant 48 : index
        %parallel_loop3A_273 = tpu.vector_load %arg19[%parallel_loop3A_271, %parallel_loop3A_272] {strides = array<i32>} : memref<40x128xf32, #tpu.memory_space<vmem>>, vector<16xf32>,
        tpu.vector_store %arg19[%parallel_loop3A_271, %parallel_loop3A_272], %parallel_loop3A_270 {add = true, strides = array<i32>} : memref<40x128xf32, #tpu.memory_space<vmem>>, vector<16xf32>,
        %parallel_loop3A_274 = arith.index_cast %parallel_loop3A_249 : i32 to index
        %parallel_loop3A_275 = arith.constant 64 : index
        %parallel_loop3A_276 = tpu.vector_load %arg14[%parallel_loop3A_274, %parallel_loop3A_275] {strides = array<i32>} : memref<40x128xf32, #tpu.memory_space<vmem>>, vector<16xf32>,
        %parallel_loop3A_277 = arith.index_cast %parallel_loop3A_249 : i32 to index
        %parallel_loop3A_278 = arith.constant 64 : index
        %parallel_loop3A_279 = tpu.vector_load %arg19[%parallel_loop3A_277, %parallel_loop3A_278] {strides = array<i32>} : memref<40x128xf32, #tpu.memory_space<vmem>>, vector<16xf32>,
        tpu.vector_store %arg19[%parallel_loop3A_277, %parallel_loop3A_278], %parallel_loop3A_276 {add = true, strides = array<i32>} : memref<40x128xf32, #tpu.memory_space<vmem>>, vector<16xf32>,
        %parallel_loop3A_280 = arith.index_cast %parallel_loop3A_249 : i32 to index
        %parallel_loop3A_281 = arith.constant 80 : index
        %parallel_loop3A_282 = tpu.vector_load %arg14[%parallel_loop3A_280, %parallel_loop3A_281] {strides = array<i32>} : memref<40x128xf32, #tpu.memory_space<vmem>>, vector<16xf32>,
        %parallel_loop3A_283 = arith.index_cast %parallel_loop3A_249 : i32 to index
        %parallel_loop3A_284 = arith.constant 80 : index
        %parallel_loop3A_285 = tpu.vector_load %arg19[%parallel_loop3A_283, %parallel_loop3A_284] {strides = array<i32>} : memref<40x128xf32, #tpu.memory_space<vmem>>, vector<16xf32>,
        tpu.vector_store %arg19[%parallel_loop3A_283, %parallel_loop3A_284], %parallel_loop3A_282 {add = true, strides = array<i32>} : memref<40x128xf32, #tpu.memory_space<vmem>>, vector<16xf32>,
        %parallel_loop3A_286 = arith.index_cast %parallel_loop3A_249 : i32 to index
        %parallel_loop3A_287 = arith.constant 96 : index
        %parallel_loop3A_288 = tpu.vector_load %arg14[%parallel_loop3A_286, %parallel_loop3A_287] {strides = array<i32>} : memref<40x128xf32, #tpu.memory_space<vmem>>, vector<16xf32>,
        %parallel_loop3A_289 = arith.index_cast %parallel_loop3A_249 : i32 to index
        %parallel_loop3A_290 = arith.constant 96 : index
        %parallel_loop3A_291 = tpu.vector_load %arg19[%parallel_loop3A_289, %parallel_loop3A_290] {strides = array<i32>} : memref<40x128xf32, #tpu.memory_space<vmem>>, vector<16xf32>,
        tpu.vector_store %arg19[%parallel_loop3A_289, %parallel_loop3A_290], %parallel_loop3A_288 {add = true, strides = array<i32>} : memref<40x128xf32, #tpu.memory_space<vmem>>, vector<16xf32>,
        %parallel_loop3A_292 = arith.index_cast %parallel_loop3A_249 : i32 to index
        %parallel_loop3A_293 = arith.constant 112 : index
        %parallel_loop3A_294 = tpu.vector_load %arg14[%parallel_loop3A_292, %parallel_loop3A_293] {strides = array<i32>} : memref<40x128xf32, #tpu.memory_space<vmem>>, vector<16xf32>,
        %parallel_loop3A_295 = arith.index_cast %parallel_loop3A_249 : i32 to index
        %parallel_loop3A_296 = arith.constant 112 : index
        %parallel_loop3A_297 = tpu.vector_load %arg19[%parallel_loop3A_295, %parallel_loop3A_296] {strides = array<i32>} : memref<40x128xf32, #tpu.memory_space<vmem>>, vector<16xf32>,
        tpu.vector_store %arg19[%parallel_loop3A_295, %parallel_loop3A_296], %parallel_loop3A_294 {add = true, strides = array<i32>} : memref<40x128xf32, #tpu.memory_space<vmem>>, vector<16xf32>,
      } {sc.loop_unroll_factor = 2 : i64, sc.parallel_access}
      %mul3A_200 = arith.constant 40 : i32
      %mul3A_201 = arith.muli %add3A_186, %mul3A_200 : i32
      %add3A_202 = arith.addi %mul3A_2, %mul3A_201 : i32
      %dma_start3A_203 = arith.constant 0 : i32
      %dma_start3A_204 = tpu.memref_slice %arg5[%add3A_202, %dma_start3A_203] : memref<160000x128xf32, #tpu.memory_space<hbm>> -> memref<40x128xf32, #tpu.memory_space<hbm>>
      %dma_start3A_205 = arith.constant 0 : i32
      %dma_start3A_206 = tpu.memref_slice %arg5[%add3A_202, %dma_start3A_205] : memref<160000x128xf32, #tpu.memory_space<hbm>> -> memref<40x128xf32, #tpu.memory_space<hbm>>
      tpu.enqueue_dma source(%arg19 : memref<40x128xf32, #tpu.memory_space<vmem>>) target(%dma_start3A_206 : memref<40x128xf32, #tpu.memory_space<hbm>>) target_semaphore(%arg34 : memref<!tpu.dma_semaphore, #tpu.memory_space<semaphore_mem>>)
      %dma_wait3A_207 = arith.constant 0 : i32
      %dma_wait3A_208 = tpu.memref_slice %arg5[%mul3A_2, %dma_wait3A_207] : memref<160000x128xf32, #tpu.memory_space<hbm>> -> memref<40x128xf32, #tpu.memory_space<hbm>>
      %dma_wait3A_209 = arith.constant 0 : i32
      %dma_wait3A_210 = tpu.memref_slice %arg5[%mul3A_2, %dma_wait3A_209] : memref<160000x128xf32, #tpu.memory_space<hbm>> -> memref<40x128xf32, #tpu.memory_space<hbm>>
      tpu.wait_dma2 semaphore(%arg34 : memref<!tpu.dma_semaphore, #tpu.memory_space<semaphore_mem>>) src(%arg19 : memref<40x128xf32, #tpu.memory_space<vmem>>) dst(%dma_wait3A_210 : memref<40x128xf32, #tpu.memory_space<hbm>>)
      %lt3A_211 = arith.constant 24 : i32
      %lt3A_212 = arith.cmpi slt, %scan3A_88, %lt3A_211 : i32
      %convert_element_type3A_213 = arith.extui %lt3A_212 : i1 to i32
      %cond3A_214 = arith.constant 0 : i32
      %cond3A_215 = arith.cmpi ne, %convert_element_type3A_213, %cond3A_214 : i32
      scf.if %cond3A_215 {
        %add3A_249 = arith.constant 5 : i32
        %add3A_250 = arith.addi %add3A_186, %add3A_249 : i32
        %mul3A_251 = arith.constant 40 : i32
        %mul3A_252 = arith.muli %add3A_250, %mul3A_251 : i32
        %dma_start3A_253 = tpu.memref_slice %arg8[%mul3A_252] : memref<5008xi32, #tpu.memory_space<vmem>> -> memref<40xi32, #tpu.memory_space<vmem>>
        %dma_start3A_254 = arith.constant 0 : i32
        %dma_start3A_255 = arith.constant 0 : i32
        %dma_start3A_256 = tpu.memref_slice %arg2[%dma_start3A_254, %dma_start3A_255] : memref<10000x128xf32, #tpu.memory_space<hbm>> -> memref<10000x128xf32, #tpu.memory_space<hbm>>
        tpu.enqueue_indirect_dma source(%dma_start3A_256 : memref<10000x128xf32, #tpu.memory_space<hbm>>) target(%arg14 : memref<40x128xf32, #tpu.memory_space<vmem>>) offsets(%dma_start3A_253 : memref<40xi32, #tpu.memory_space<vmem>>) semaphore(%arg24 : memref<!tpu.dma_semaphore, #tpu.memory_space<semaphore_mem>>)
        %add3A_257 = arith.constant 5 : i32
        %add3A_258 = arith.addi %add3A_186, %add3A_257 : i32
        %mul3A_259 = arith.constant 40 : i32
        %mul3A_260 = arith.muli %add3A_258, %mul3A_259 : i32
        %dma_start3A_261 = tpu.memref_slice %arg9[%mul3A_260] : memref<5008xi32, #tpu.memory_space<vmem>> -> memref<40xi32, #tpu.memory_space<vmem>>
        %dma_start3A_262 = arith.constant 0 : i32
        %dma_start3A_263 = arith.constant 0 : i32
        %dma_start3A_264 = tpu.memref_slice %arg2[%dma_start3A_262, %dma_start3A_263] : memref<10000x128xf32, #tpu.memory_space<hbm>> -> memref<10000x128xf32, #tpu.memory_space<hbm>>
        tpu.enqueue_indirect_dma source(%dma_start3A_264 : memref<10000x128xf32, #tpu.memory_space<hbm>>) target(%arg19 : memref<40x128xf32, #tpu.memory_space<vmem>>) offsets(%dma_start3A_261 : memref<40xi32, #tpu.memory_space<vmem>>) semaphore(%arg29 : memref<!tpu.dma_semaphore, #tpu.memory_space<semaphore_mem>>)
      } else {
      }
      %mul3A_216 = arith.constant 5 : i32
      %mul3A_217 = arith.muli %scan3A_88, %mul3A_216 : i32
      %add3A_218 = arith.constant 4 : i32
      %add3A_219 = arith.addi %mul3A_217, %add3A_218 : i32
      %dma_wait3A_220 = arith.constant 0 : i32
      %dma_wait3A_221 = tpu.memref_slice %arg8[%dma_wait3A_220] : memref<5008xi32, #tpu.memory_space<vmem>> -> memref<40xi32, #tpu.memory_space<vmem>>
      %dma_wait3A_222 = arith.constant 0 : i32
      %dma_wait3A_223 = arith.constant 0 : i32
      %dma_wait3A_224 = tpu.memref_slice %arg2[%dma_wait3A_222, %dma_wait3A_223] : memref<10000x128xf32, #tpu.memory_space<hbm>> -> memref<10000x128xf32, #tpu.memory_space<hbm>>
      tpu.wait_indirect_dma semaphore(%arg25 : memref<!tpu.dma_semaphore, #tpu.memory_space<semaphore_mem>>) src(%dma_wait3A_224 : memref<10000x128xf32, #tpu.memory_space<hbm>>) dst(%arg15 : memref<40x128xf32, #tpu.memory_space<vmem>>)
      %dma_wait3A_225 = arith.constant 0 : i32
      %dma_wait3A_226 = tpu.memref_slice %arg9[%dma_wait3A_225] : memref<5008xi32, #tpu.memory_space<vmem>> -> memref<40xi32, #tpu.memory_space<vmem>>
      %dma_wait3A_227 = arith.constant 0 : i32
      %dma_wait3A_228 = arith.constant 0 : i32
      %dma_wait3A_229 = tpu.memref_slice %arg2[%dma_wait3A_227, %dma_wait3A_228] : memref<10000x128xf32, #tpu.memory_space<hbm>> -> memref<10000x128xf32, #tpu.memory_space<hbm>>
      tpu.wait_indirect_dma semaphore(%arg30 : memref<!tpu.dma_semaphore, #tpu.memory_space<semaphore_mem>>) src(%dma_wait3A_229 : memref<10000x128xf32, #tpu.memory_space<hbm>>) dst(%arg20 : memref<40x128xf32, #tpu.memory_space<vmem>>)
      %parallel_loop3A_230 = arith.constant 0 : i32
      %parallel_loop3A_231 = arith.constant 40 : i32
      %parallel_loop3A_232 = arith.constant 1 : i32
      scf.for %parallel_loop3A_249 = %parallel_loop3A_230 to %parallel_loop3A_231 step %parallel_loop3A_232  : i32 {
        %parallel_loop3A_250 = arith.index_cast %parallel_loop3A_249 : i32 to index
        %parallel_loop3A_251 = arith.constant 0 : index
        %parallel_loop3A_252 = tpu.vector_load %arg15[%parallel_loop3A_250, %parallel_loop3A_251] {strides = array<i32>} : memref<40x128xf32, #tpu.memory_space<vmem>>, vector<16xf32>,
        %parallel_loop3A_253 = arith.index_cast %parallel_loop3A_249 : i32 to index
        %parallel_loop3A_254 = arith.constant 0 : index
        %parallel_loop3A_255 = tpu.vector_load %arg20[%parallel_loop3A_253, %parallel_loop3A_254] {strides = array<i32>} : memref<40x128xf32, #tpu.memory_space<vmem>>, vector<16xf32>,
        tpu.vector_store %arg20[%parallel_loop3A_253, %parallel_loop3A_254], %parallel_loop3A_252 {add = true, strides = array<i32>} : memref<40x128xf32, #tpu.memory_space<vmem>>, vector<16xf32>,
        %parallel_loop3A_256 = arith.index_cast %parallel_loop3A_249 : i32 to index
        %parallel_loop3A_257 = arith.constant 16 : index
        %parallel_loop3A_258 = tpu.vector_load %arg15[%parallel_loop3A_256, %parallel_loop3A_257] {strides = array<i32>} : memref<40x128xf32, #tpu.memory_space<vmem>>, vector<16xf32>,
        %parallel_loop3A_259 = arith.index_cast %parallel_loop3A_249 : i32 to index
        %parallel_loop3A_260 = arith.constant 16 : index
        %parallel_loop3A_261 = tpu.vector_load %arg20[%parallel_loop3A_259, %parallel_loop3A_260] {strides = array<i32>} : memref<40x128xf32, #tpu.memory_space<vmem>>, vector<16xf32>,
        tpu.vector_store %arg20[%parallel_loop3A_259, %parallel_loop3A_260], %parallel_loop3A_258 {add = true, strides = array<i32>} : memref<40x128xf32, #tpu.memory_space<vmem>>, vector<16xf32>,
        %parallel_loop3A_262 = arith.index_cast %parallel_loop3A_249 : i32 to index
        %parallel_loop3A_263 = arith.constant 32 : index
        %parallel_loop3A_264 = tpu.vector_load %arg15[%parallel_loop3A_262, %parallel_loop3A_263] {strides = array<i32>} : memref<40x128xf32, #tpu.memory_space<vmem>>, vector<16xf32>,
        %parallel_loop3A_265 = arith.index_cast %parallel_loop3A_249 : i32 to index
        %parallel_loop3A_266 = arith.constant 32 : index
        %parallel_loop3A_267 = tpu.vector_load %arg20[%parallel_loop3A_265, %parallel_loop3A_266] {strides = array<i32>} : memref<40x128xf32, #tpu.memory_space<vmem>>, vector<16xf32>,
        tpu.vector_store %arg20[%parallel_loop3A_265, %parallel_loop3A_266], %parallel_loop3A_264 {add = true, strides = array<i32>} : memref<40x128xf32, #tpu.memory_space<vmem>>, vector<16xf32>,
        %parallel_loop3A_268 = arith.index_cast %parallel_loop3A_249 : i32 to index
        %parallel_loop3A_269 = arith.constant 48 : index
        %parallel_loop3A_270 = tpu.vector_load %arg15[%parallel_loop3A_268, %parallel_loop3A_269] {strides = array<i32>} : memref<40x128xf32, #tpu.memory_space<vmem>>, vector<16xf32>,
        %parallel_loop3A_271 = arith.index_cast %parallel_loop3A_249 : i32 to index
        %parallel_loop3A_272 = arith.constant 48 : index
        %parallel_loop3A_273 = tpu.vector_load %arg20[%parallel_loop3A_271, %parallel_loop3A_272] {strides = array<i32>} : memref<40x128xf32, #tpu.memory_space<vmem>>, vector<16xf32>,
        tpu.vector_store %arg20[%parallel_loop3A_271, %parallel_loop3A_272], %parallel_loop3A_270 {add = true, strides = array<i32>} : memref<40x128xf32, #tpu.memory_space<vmem>>, vector<16xf32>,
        %parallel_loop3A_274 = arith.index_cast %parallel_loop3A_249 : i32 to index
        %parallel_loop3A_275 = arith.constant 64 : index
        %parallel_loop3A_276 = tpu.vector_load %arg15[%parallel_loop3A_274, %parallel_loop3A_275] {strides = array<i32>} : memref<40x128xf32, #tpu.memory_space<vmem>>, vector<16xf32>,
        %parallel_loop3A_277 = arith.index_cast %parallel_loop3A_249 : i32 to index
        %parallel_loop3A_278 = arith.constant 64 : index
        %parallel_loop3A_279 = tpu.vector_load %arg20[%parallel_loop3A_277, %parallel_loop3A_278] {strides = array<i32>} : memref<40x128xf32, #tpu.memory_space<vmem>>, vector<16xf32>,
        tpu.vector_store %arg20[%parallel_loop3A_277, %parallel_loop3A_278], %parallel_loop3A_276 {add = true, strides = array<i32>} : memref<40x128xf32, #tpu.memory_space<vmem>>, vector<16xf32>,
        %parallel_loop3A_280 = arith.index_cast %parallel_loop3A_249 : i32 to index
        %parallel_loop3A_281 = arith.constant 80 : index
        %parallel_loop3A_282 = tpu.vector_load %arg15[%parallel_loop3A_280, %parallel_loop3A_281] {strides = array<i32>} : memref<40x128xf32, #tpu.memory_space<vmem>>, vector<16xf32>,
        %parallel_loop3A_283 = arith.index_cast %parallel_loop3A_249 : i32 to index
        %parallel_loop3A_284 = arith.constant 80 : index
        %parallel_loop3A_285 = tpu.vector_load %arg20[%parallel_loop3A_283, %parallel_loop3A_284] {strides = array<i32>} : memref<40x128xf32, #tpu.memory_space<vmem>>, vector<16xf32>,
        tpu.vector_store %arg20[%parallel_loop3A_283, %parallel_loop3A_284], %parallel_loop3A_282 {add = true, strides = array<i32>} : memref<40x128xf32, #tpu.memory_space<vmem>>, vector<16xf32>,
        %parallel_loop3A_286 = arith.index_cast %parallel_loop3A_249 : i32 to index
        %parallel_loop3A_287 = arith.constant 96 : index
        %parallel_loop3A_288 = tpu.vector_load %arg15[%parallel_loop3A_286, %parallel_loop3A_287] {strides = array<i32>} : memref<40x128xf32, #tpu.memory_space<vmem>>, vector<16xf32>,
        %parallel_loop3A_289 = arith.index_cast %parallel_loop3A_249 : i32 to index
        %parallel_loop3A_290 = arith.constant 96 : index
        %parallel_loop3A_291 = tpu.vector_load %arg20[%parallel_loop3A_289, %parallel_loop3A_290] {strides = array<i32>} : memref<40x128xf32, #tpu.memory_space<vmem>>, vector<16xf32>,
        tpu.vector_store %arg20[%parallel_loop3A_289, %parallel_loop3A_290], %parallel_loop3A_288 {add = true, strides = array<i32>} : memref<40x128xf32, #tpu.memory_space<vmem>>, vector<16xf32>,
        %parallel_loop3A_292 = arith.index_cast %parallel_loop3A_249 : i32 to index
        %parallel_loop3A_293 = arith.constant 112 : index
        %parallel_loop3A_294 = tpu.vector_load %arg15[%parallel_loop3A_292, %parallel_loop3A_293] {strides = array<i32>} : memref<40x128xf32, #tpu.memory_space<vmem>>, vector<16xf32>,
        %parallel_loop3A_295 = arith.index_cast %parallel_loop3A_249 : i32 to index
        %parallel_loop3A_296 = arith.constant 112 : index
        %parallel_loop3A_297 = tpu.vector_load %arg20[%parallel_loop3A_295, %parallel_loop3A_296] {strides = array<i32>} : memref<40x128xf32, #tpu.memory_space<vmem>>, vector<16xf32>,
        tpu.vector_store %arg20[%parallel_loop3A_295, %parallel_loop3A_296], %parallel_loop3A_294 {add = true, strides = array<i32>} : memref<40x128xf32, #tpu.memory_space<vmem>>, vector<16xf32>,
      } {sc.loop_unroll_factor = 2 : i64, sc.parallel_access}
      %mul3A_233 = arith.constant 40 : i32
      %mul3A_234 = arith.muli %add3A_219, %mul3A_233 : i32
      %add3A_235 = arith.addi %mul3A_2, %mul3A_234 : i32
      %dma_start3A_236 = arith.constant 0 : i32
      %dma_start3A_237 = tpu.memref_slice %arg5[%add3A_235, %dma_start3A_236] : memref<160000x128xf32, #tpu.memory_space<hbm>> -> memref<40x128xf32, #tpu.memory_space<hbm>>
      %dma_start3A_238 = arith.constant 0 : i32
      %dma_start3A_239 = tpu.memref_slice %arg5[%add3A_235, %dma_start3A_238] : memref<160000x128xf32, #tpu.memory_space<hbm>> -> memref<40x128xf32, #tpu.memory_space<hbm>>
      tpu.enqueue_dma source(%arg20 : memref<40x128xf32, #tpu.memory_space<vmem>>) target(%dma_start3A_239 : memref<40x128xf32, #tpu.memory_space<hbm>>) target_semaphore(%arg35 : memref<!tpu.dma_semaphore, #tpu.memory_space<semaphore_mem>>)
      %dma_wait3A_240 = arith.constant 0 : i32
      %dma_wait3A_241 = tpu.memref_slice %arg5[%mul3A_2, %dma_wait3A_240] : memref<160000x128xf32, #tpu.memory_space<hbm>> -> memref<40x128xf32, #tpu.memory_space<hbm>>
      %dma_wait3A_242 = arith.constant 0 : i32
      %dma_wait3A_243 = tpu.memref_slice %arg5[%mul3A_2, %dma_wait3A_242] : memref<160000x128xf32, #tpu.memory_space<hbm>> -> memref<40x128xf32, #tpu.memory_space<hbm>>
      tpu.wait_dma2 semaphore(%arg35 : memref<!tpu.dma_semaphore, #tpu.memory_space<semaphore_mem>>) src(%arg20 : memref<40x128xf32, #tpu.memory_space<vmem>>) dst(%dma_wait3A_243 : memref<40x128xf32, #tpu.memory_space<hbm>>)
      %lt3A_244 = arith.constant 24 : i32
      %lt3A_245 = arith.cmpi slt, %scan3A_88, %lt3A_244 : i32
      %convert_element_type3A_246 = arith.extui %lt3A_245 : i1 to i32
      %cond3A_247 = arith.constant 0 : i32
      %cond3A_248 = arith.cmpi ne, %convert_element_type3A_246, %cond3A_247 : i32
      scf.if %cond3A_248 {
        %add3A_249 = arith.constant 5 : i32
        %add3A_250 = arith.addi %add3A_219, %add3A_249 : i32
        %mul3A_251 = arith.constant 40 : i32
        %mul3A_252 = arith.muli %add3A_250, %mul3A_251 : i32
        %dma_start3A_253 = tpu.memref_slice %arg8[%mul3A_252] : memref<5008xi32, #tpu.memory_space<vmem>> -> memref<40xi32, #tpu.memory_space<vmem>>
        %dma_start3A_254 = arith.constant 0 : i32
        %dma_start3A_255 = arith.constant 0 : i32
        %dma_start3A_256 = tpu.memref_slice %arg2[%dma_start3A_254, %dma_start3A_255] : memref<10000x128xf32, #tpu.memory_space<hbm>> -> memref<10000x128xf32, #tpu.memory_space<hbm>>
        tpu.enqueue_indirect_dma source(%dma_start3A_256 : memref<10000x128xf32, #tpu.memory_space<hbm>>) target(%arg15 : memref<40x128xf32, #tpu.memory_space<vmem>>) offsets(%dma_start3A_253 : memref<40xi32, #tpu.memory_space<vmem>>) semaphore(%arg25 : memref<!tpu.dma_semaphore, #tpu.memory_space<semaphore_mem>>)
        %add3A_257 = arith.constant 5 : i32
        %add3A_258 = arith.addi %add3A_219, %add3A_257 : i32
        %mul3A_259 = arith.constant 40 : i32
        %mul3A_260 = arith.muli %add3A_258, %mul3A_259 : i32
        %dma_start3A_261 = tpu.memref_slice %arg9[%mul3A_260] : memref<5008xi32, #tpu.memory_space<vmem>> -> memref<40xi32, #tpu.memory_space<vmem>>
        %dma_start3A_262 = arith.constant 0 : i32
        %dma_start3A_263 = arith.constant 0 : i32
        %dma_start3A_264 = tpu.memref_slice %arg2[%dma_start3A_262, %dma_start3A_263] : memref<10000x128xf32, #tpu.memory_space<hbm>> -> memref<10000x128xf32, #tpu.memory_space<hbm>>
        tpu.enqueue_indirect_dma source(%dma_start3A_264 : memref<10000x128xf32, #tpu.memory_space<hbm>>) target(%arg20 : memref<40x128xf32, #tpu.memory_space<vmem>>) offsets(%dma_start3A_261 : memref<40xi32, #tpu.memory_space<vmem>>) semaphore(%arg30 : memref<!tpu.dma_semaphore, #tpu.memory_space<semaphore_mem>>)
      } else {
      }
    }
    %scan3A_87 = arith.constant 25 : i32
    "tpu.region"() ({
      %run_scoped3A = tpu.sem_alloc : memref<!tpu.dma_semaphore, #tpu.memory_space<semaphore_mem>>
      %dma_start3A_88 = arith.constant 0 : i32
      %dma_start3A_89 = tpu.memref_slice %arg10[%dma_start3A_88] : memref<5008xi32, #tpu.memory_space<vmem>> -> memref<5000xi32, #tpu.memory_space<vmem>>
      %dma_start3A_90 = tpu.memref_slice %arg6[%mul3A_2] : memref<160000xi32, #tpu.memory_space<hbm>> -> memref<5000xi32, #tpu.memory_space<hbm>>
      %dma_start3A_91 = tpu.memref_slice %arg6[%mul3A_2] : memref<160000xi32, #tpu.memory_space<hbm>> -> memref<5000xi32, #tpu.memory_space<hbm>>
      %dma_start3A_92 = arith.constant 0 : i32
      %dma_start3A_93 = tpu.memref_slice %arg10[%dma_start3A_92] : memref<5008xi32, #tpu.memory_space<vmem>> -> memref<5000xi32, #tpu.memory_space<vmem>>
      tpu.enqueue_dma source(%dma_start3A_93 : memref<5000xi32, #tpu.memory_space<vmem>>) target(%dma_start3A_91 : memref<5000xi32, #tpu.memory_space<hbm>>) target_semaphore(%run_scoped3A : memref<!tpu.dma_semaphore, #tpu.memory_space<semaphore_mem>>)
      %dma_wait3A = arith.constant 0 : i32
      %dma_wait3A_94 = tpu.memref_slice %arg10[%dma_wait3A] : memref<5008xi32, #tpu.memory_space<vmem>> -> memref<5000xi32, #tpu.memory_space<vmem>>
      %dma_wait3A_95 = tpu.memref_slice %arg6[%mul3A_2] : memref<160000xi32, #tpu.memory_space<hbm>> -> memref<5000xi32, #tpu.memory_space<hbm>>
      %dma_wait3A_96 = tpu.memref_slice %arg6[%mul3A_2] : memref<160000xi32, #tpu.memory_space<hbm>> -> memref<5000xi32, #tpu.memory_space<hbm>>
      %dma_wait3A_97 = arith.constant 0 : i32
      %dma_wait3A_98 = tpu.memref_slice %arg10[%dma_wait3A_97] : memref<5008xi32, #tpu.memory_space<vmem>> -> memref<5000xi32, #tpu.memory_space<vmem>>
      tpu.wait_dma2 semaphore(%run_scoped3A : memref<!tpu.dma_semaphore, #tpu.memory_space<semaphore_mem>>) src(%dma_wait3A_98 : memref<5000xi32, #tpu.memory_space<vmem>>) dst(%dma_wait3A_96 : memref<5000xi32, #tpu.memory_space<hbm>>)
      tpu.yield
    }) : () -> ()
    return
  }
}

</mosaic_0001>

<sc_bundles>
// kernel: kernel.3.cloned.1.call-start
scs
__scs_entry_jumppad:
0x0: {  	(pc) =	sbr.rel $0x88, $3  }
0x1: {  	(tag) =	ssettag $0x0;
	lr =	simm.s32 $0x1  }
0x2: {  	[smem:$0x3F9E] =	sst lr;
	_ =	strace $0xD0000000  }
0x3: {  	_ = 	snop  }
0x4: {  	_ = 	snop  }
0x5: {  	_ = 	snop  }
0x6: {  	_ = 	snop  }
0x7: {  	_ = 	snop  }
__scs_overlays_trampoline_lowered:
0x8: {  	[smem:$0x3FAD] =	sst s0  }
0x9: {  	[smem:$0x3FAE] =	sst s1  }
0xa: {  	[smem:$0x3FAF] =	sst s2  }
0xb: {  	[smem:$0x3FB0] =	sst s3  }
0xc: {  	[smem:$0x3FB1] =	sst s4  }
0xd: {  	[smem:$0x3FB2] =	sst s5  }
0xe: {  	[smem:$0x3FB3] =	sst s6  }
0xf: {  	[smem:$0x3FB4] =	sst s7  }
0x10: {  	[smem:$0x3FB5] =	sst s8  }
0x11: {  	[smem:$0x3FB6] =	sst s9;
	s0 =	simm.s32 @!p0 $0x0  }
0x12: {  	s1 =	sld [smem:$0x3F9C];
	s0 =	simm.s32 @p0 $0x1  }
0x13: {  	[smem:$0x3FB7] =	sst s0;
	s0 =	simm.s32 @!p1 $0x0  }
0x14: {  	s2 =	sld [smem:$0x3F9B];
	s0 =	simm.s32 @p1 $0x1  }
0x15: {  	[smem:$0x3FB8] =	sst s0;
	s0 =	simm.s32 @!p2 $0x0  }
0x16: {  	s3 =	sld [smem:$0x3FDB];
	s0 =	simm.s32 @p2 $0x1  }
0x17: {  	s4 =	simm.s32 $0x1BF5;
	[smem:$0x3FBA] =	sst s0  }
0x18: {  	s0 =	sld [smem:$0x3F9D];
	_ =	swait.ge [sflag:s4], $0x0  }
0x19: {  	s7 =	sld [smem:$0x3F9E]  }
0x1a: {  	s8 =	sadd.s32 $0xFFFFE003, lr  }
0x1b: {  	s9 =	sadd.s32 $0xFFFFFEF7, lr;
	s5 =	simm.s32 $0xFFFFFFFF;
	p2 =	slt.u32 s8, $0xFFFFF086  }
0x1c: {  	p1 =	slt.u32 s9, $0xF7A;
	s5 =	simm.s32 @!p2 $0x0  }
0x1d: {  	s5 =	simm.s32 @p1 $0x1;
	p0 =	seq.s32 s7, s2  }
0x1e: {  	s7 =	smul.u32 @!p0 $0xF7A, s2;
	p2 =	seq.s32 @!p0 s5, $0x0  }
0x1f: {  	s9 =	smul.u32 $0xF7A, s1;
	s8 =	simm.s32 @!p0 $0x1BF5;
	p2 =	por !p2, p0  }
0x20: {  	[sflag:s8] =	ssyncset.s32 @!p0 $0xFFFFF086;
	s6 =	sadd.s32 @!p0 s3, s7;
	s7 =	simm.s32 @!p0 $0x108  }
0x21: {  	s3 =	sadd.s32 s3, s9;
	s6 =	sadd.s32 @!p0 $0x88, s6;
	s7 =	simm.s32 @p2 $0x1082  }
0x22: {  	[simem:s7], [sflag:s8] =	dma.local @!p0 [hbm:s6], $0xF7A  }
0x23: {  	s9 =	sor.u32 $0xD0000000, s2;
	s6 =	simm.s32 $0x108;
	_ =	swait.ge @!p0 [sflag:s8], $0x0  }
0x24: {  	s3 =	sadd.s32 $0x88, s3;
	s6 =	simm.s32 @!p1 $0x1082;
	[sflag:s4] =	ssyncset.s32 $0xFFFFF086  }
0x25: {  	[simem:s6], [sflag:s4] =	dma.local [hbm:s3], $0xF7A  }
0x26: {  	[smem:$0x3F9E] =	sst s1;
	(tag) =	ssettag s2;
	_ =	strace s9  }
0x27: {  	s1 =	sld [smem:$0x3FAE]  }
0x28: {  	s2 =	sld [smem:$0x3FAF]  }
0x29: {  	s4 =	sld [smem:$0x3FB1]  }
0x2a: {  	p0 =	seq.s32 s5, $0x0;
	s5 =	sld [smem:$0x3FB2]  }
0x2b: {  	s6 =	sld [smem:$0x3FB3]  }
0x2c: {  	s7 =	sld [smem:$0x3FB4]  }
0x2d: {  	s3 =	simm.s32 $0x108;
	s8 =	sld [smem:$0x3FB5]  }
0x2e: {  	s3 =	simm.s32 @!p0 $0x1082;
	s9 =	sld [smem:$0x3FB6]  }
0x2f: {  	lr =	sadd.s32 s0, s3;
	s0 =	sld [smem:$0x3FAD]  }
0x30: {  	s3 =	sld [smem:$0x3FB0]  }
0x31: {  	[smem:$0x3FB9] =	sst s10  }
0x32: {  	s10 =	sld [smem:$0x3FB7];
	_ =	sdelay $0x3  }
0x33: {  	p0 =	seq.s32 s10, $0x1;
	s10 =	sld [smem:$0x3FB9];
	_ =	sdelay $0x3  }
0x34: {  	[smem:$0x3FB9] =	sst s10  }
0x35: {  	s10 =	sld [smem:$0x3FB8];
	_ =	sdelay $0x3  }
0x36: {  	p1 =	seq.s32 s10, $0x1;
	s10 =	sld [smem:$0x3FB9];
	_ =	sdelay $0x3  }
0x37: {  	[smem:$0x3FB9] =	sst s10  }
0x38: {  	s10 =	sld [smem:$0x3FBA]  }
0x39: {  	_ = 	snop;
	(pc) =	sbr.ind lr, $3  }
0x3a: {  	_ = 	snop  }
0x3b: {  	_ = 	snop  }
0x3c: {  	p2 =	seq.s32 s10, $0x1;
	s10 =	sld [smem:$0x3FB9]  }
0x3d: {  	_ =	shalt  }
0x3e: {  	_ =	shalt  }
0x3f: {  	_ =	shalt  }
0x40: {  	_ =	shalt  }
0x41: {  	_ =	shalt  }
0x42: {  	_ =	shalt  }
0x43: {  	_ =	shalt  }
0x44: {  	_ =	shalt  }
0x45: {  	_ =	shalt  }
0x46: {  	_ =	shalt  }
0x47: {  	_ =	shalt  }
0x48: {  	_ =	shalt  }
0x49: {  	_ =	shalt  }
0x4a: {  	_ =	shalt  }
0x4b: {  	_ =	shalt  }
0x4c: {  	_ =	shalt  }
0x4d: {  	_ =	shalt  }
0x4e: {  	_ =	shalt  }
0x4f: {  	_ =	shalt  }
0x50: {  	_ =	shalt  }
0x51: {  	_ =	shalt  }
0x52: {  	_ =	shalt  }
0x53: {  	_ =	shalt  }
0x54: {  	_ =	shalt  }
0x55: {  	_ =	shalt  }
0x56: {  	_ =	shalt  }
0x57: {  	_ =	shalt  }
0x58: {  	_ =	shalt  }
0x59: {  	_ =	shalt  }
0x5a: {  	_ =	shalt  }
0x5b: {  	_ =	shalt  }
0x5c: {  	_ =	shalt  }
0x5d: {  	_ =	shalt  }
0x5e: {  	_ =	shalt  }
0x5f: {  	_ =	shalt  }
0x60: {  	_ =	shalt  }
0x61: {  	_ =	shalt  }
0x62: {  	_ =	shalt  }
0x63: {  	_ =	shalt  }
0x64: {  	_ =	shalt  }
0x65: {  	_ =	shalt  }
0x66: {  	_ =	shalt  }
0x67: {  	_ =	shalt  }
0x68: {  	_ =	shalt  }
0x69: {  	_ =	shalt  }
0x6a: {  	_ =	shalt  }
0x6b: {  	_ =	shalt  }
0x6c: {  	_ =	shalt  }
0x6d: {  	_ =	shalt  }
0x6e: {  	_ =	shalt  }
0x6f: {  	_ =	shalt  }
0x70: {  	_ =	shalt  }
0x71: {  	_ =	shalt  }
0x72: {  	_ =	shalt  }
0x73: {  	_ =	shalt  }
0x74: {  	_ =	shalt  }
0x75: {  	_ =	shalt  }
0x76: {  	_ =	shalt  }
0x77: {  	_ =	shalt  }
0x78: {  	_ =	shalt  }
0x79: {  	_ =	shalt  }
0x7a: {  	_ =	shalt  }
0x7b: {  	_ =	shalt  }
0x7c: {  	_ =	shalt  }
0x7d: {  	_ =	shalt  }
0x7e: {  	_ =	shalt  }
0x7f: {  	_ =	shalt  }
0x80: {  	_ =	shalt  }
0x81: {  	_ =	shalt  }
0x82: {  	_ =	shalt  }
0x83: {  	_ =	shalt  }
0x84: {  	_ =	shalt  }
0x85: {  	_ =	shalt  }
0x86: {  	_ =	shalt  }
0x87: {  	_ =	shalt  }
.Lfunc_end0:
.L_simem_size_0:
called_computation_lowered:
.L_overlay_start_0:
0x88: {  	s2 =	sld [smem:$0x3FD9]  }
0x89: {  	s3 =	sld [smem:$0x3FFE];
	_ =	sdelay $0x1  }
0x8a: {  	s1 =	srdreg.scid  }
0x8b: {  	s0 =	sand.u32 $0x1, s1  }
0x8c: {  	s14 =	sshll.u32 s0, $0xA;
	s2 =	sadd.s32 s3, s2  }
0x8d: {  	s2 =	sadd.s32 s2, s14  }
0x8e: {  	[smem:$0x3FC5] =	sst s2  }
0x8f: {  	_ = 	snop  }
0x90: {  	s2 =	sld [smem:$0x3FD0];
	_ =	sdelay $0x1  }
0x91: {  	s15 =	sld [smem:$0x3FC9]  }
0x92: {  	s5 =	simm.s32 $0xA;
	s6 =	simm.s32 $0x10;
	s4 =	sld [smem:$0x3FC7]  }
0x93: {  	[smem:s6], [sflag:s5] =	dma.local [hbm:s2], $0x1  }
0x94: {  	_ =	swait.eq [sflag:s5], $0x1  }
0x95: {  	[sflag:s5] =	ssyncset.done $0x0  }
0x96: {  	s16 =	sld [smem:$0x10];
	[sflag:s5] =	ssyncadd.s32 $0xFFFFFFFF  }
0x97: {  	s17 =	sld [smem:$0x11];
	(tm) =	ssettm $0x1  }
0x98: {  	s18 =	sld [smem:$0x3FFB];
	_ =	sdelay $0x3  }
0x99: {  	_ =	strace s18  }
0x9a: {  	s6 =	sld [smem:$0x3FFC];
	_ =	sdelay $0x3  }
0x9b: {  	_ =	strace s6  }
0x9c: {  	s6 =	sld [smem:$0x3FFD];
	_ =	sdelay $0x3  }
0x9d: {  	_ =	strace s6  }
0x9e: {  	_ =	strace $0x8FFFFFFF  }
0x9f: {  	s19 =	sld [smem:$0x3FDB];
	_ =	sdelay $0x1  }
0xa0: {  	s7 =	simm.s32 $_scs_section_size  }
0xa1: {  	s8 =	simm.s32 $_size__tile_overlayer_lowered;
	s9 =	simm.s32 $_tile_overlayer_lowered  }
0xa2: {  	s22 =	simm.s32 $0x1BFF;
	s21 =	sshll.u32 s9, $0x1;
	s6 =	sadd.s32 s7, s19  }
0xa3: {  	s10 =	simm.s32 $0x0;
	s20 =	sshll.u32 s8, $0x1;
	s8 =	sadd.s32 s21, s6  }
0xa4: {  	[timem:s10], [sflag:s22] =	dma.local [hbm:s8], s20  }
0xa5: {  	_ =	swait.ge [sflag:s22], s20  }
0xa6: {  	s7 =	ssub.s32 $0x0, s20;
	[sflag:s22] =	ssyncset.done $0x0  }
0xa7: {  	[sflag:s22] =	ssyncadd.s32 s7;
	_ =	sdelay $0x1  }
0xa8: {  	s23 =	simm.s32 $0x1B8B  }
0xa9: {  	_ =	swait.ge [sflag:s23], $0x1  }
0xaa: {  	[sflag:s23] =	ssyncset.done $0x0  }
0xab: {  	s25 =	simm.s32 $0x1B8E;
	s24 =	sld [smem:$0x3FFE];
	[sflag:s23] =	ssyncadd.s32 $0xFFFFFFFF  }
0xac: {  	s26 =	simm.s32 $execute0_lowered;
	[smem:$0x3FD2] =	sst s25  }
0xad: {  	s8 =	sshll.u32 s26, $0x1;
	_ =	strace $0x80000046;
	[dreg:$0x1] =	wrdreg $0xFFFFFFFF  }
0xae: {  	s28 =	simm.s32 $_size_execute0_lowered;
	s6 =	sadd.s32 s6, s8;
	[dreg:$0x0] =	wrdreg $0x0  }
0xaf: {  	s8 =	sshll.u32 s28, $0x1;
	[dreg:$0x2] =	wrdreg s6  }
0xb0: {  	[dreg:$0x3] =	wrdreg s8  }
0xb1: {  	[dreg:$0x4] =	wrdreg $0xC0  }
0xb2: {  	_ =	task [dreg:s10], $0x5FFFF  }
0xb3: {  	[dreg:$0x1] =	wrdreg $0xFFFFFFFF  }
0xb4: {  	[dreg:$0x0] =	wrdreg $0x60  }
0xb5: {  	[dreg:$0x2] =	wrdreg s15  }
0xb6: {  	[dreg:$0x3] =	wrdreg s24  }
0xb7: {  	[dreg:$0x4] =	wrdreg s4  }
0xb8: {  	[dreg:$0x5] =	wrdreg s16  }
0xb9: {  	[dreg:$0x6] =	wrdreg s17  }
0xba: {  	[dreg:$0x7] =	wrdreg $0x9  }
0xbb: {  	_ =	task.clear_ibuf [dreg:s10], $0x8FFFF;
	_ =	strace $0x90000046  }
0xbc: {  	s29 =	simm.s32 $0x9;
	_ =	strace $0x80000048  }
0xbd: {  	_ =	swait.ge [sflag:s29], $0x1  }
0xbe: {  	[sflag:s29] =	ssyncadd.s32 $0xFFFFFFFF  }
0xbf: {  	_ =	strace $0x90000048  }
0xc0: {  	_ =	sfence  }
0xc1: {  	s30 =	sld [smem:$0x0];
	_ =	sdelay $0x2  }
0xc2: {  	s31 =	sshll.u32 s1, $0xD;
	s1 =	sshrl.u32 s1, $0x2  }
0xc3: {  	s3 =	sand.u32 $0x4000, s31;
	s1 =	sadd.s32 s1, s30  }
0xc4: {  	s0 =	sor.u32 s3, s0;
	s1 =	sshll.u32 s1, $0x11  }
0xc5: {  	s0 =	sor.u32 s1, s0  }
0xc6: {  	s0 =	sadd.s32 $0x8F2B, s0  }
0xc7: {  	[sflag:s0] =	ssyncadd.remote.s32 $0x1  }
0xc8: {  	_ =	sfence.sel $0xFFFF  }
0xc9: {  	[dreg:$0x0] =	wrdreg $0xFFFFFFFF;
	(pc) =	sbr.abs _section_cstart, $3  }
0xca: {  	[dreg:$0x1] =	wrdreg $0xFFFFFFFF  }
0xcb: {  	_ =	task.clear_ibuf [dreg:s10], $0x2FFFF;
	_ =	strace $0x9FFFFFFF  }
0xcc: {  	(tm) =	ssettm $0x7FFFFFFF  }
0xcd: {  	_ =	shalt  }
tec
execute0_lowered:
.L_overlay_start_1:
0x0: {  	(tag) =	ssettag $0x1  }
0x1: {  	s1 =	rddreg [dreg:$0x0]  }
0x2: {  	s0 =	rddreg [dreg:$0x1]  }
0x3: {  	s2 =	srdreg.scid;
	s4 =	rddreg [dreg:$0x3]  }
0x4: {  	s3 =	stileid.u32;
	s7 =	rddreg [dreg:$0x4]  }
0x5: {  	s5 =	simm.s32 $0x0;
	s20 =	simm.s32 $0x10;
	s16 =	simm.s32 $0x28  }
0x6: {  	s24 =	simm.s32 $0x2780;
	s21 =	simm.s32 $0x11780;
	s22 =	simm.s32 $0x1  }
0x7: {  	s23 =	simm.s32 $0x6;
	s28 =	simm.s32 $0x7;
	s30 =	simm.s32 $0xC  }
0x8: {  	s31 =	simm.s32 $0x3;
	s19 =	simm.s32 $0x4;
	s17 =	simm.s32 $0x9  }
0x9: {  	s13 =	simm.s32 $0xA;
	s2 =	sand.u32 $0x1, s2;
	s3 =	sshll.u32 s3, $0x1  }
0xa: {  	s14 =	simm.s32 $0xF;
	s3 =	sor.u32 s2, s3;
	s2 =	ssub.s32 $0x2, s2  }
0xb: {  	[smem:$0x7FF] =	sst s5;
	s6 =	smul.u32 $0x2710, s3;
	s9 =	sshrl.u32 s2, $0x1  }
0xc: {  	s18 =	simm.s32 $0x0;
	_ =	strace $0x80000047;
	s2 =	ssub.s32 s2, s9  }
0xd: {  	s8 =	sshrl.u32 s6, $0x3;
	s6 =	smul.u32 $0x1388, s3;
	s29 =	smax.u32 s2, $0x1  }
0xe: {  	s3 =	simm.s32 $0x8;
	s2 =	simm.s32 $0xD;
	s0 =	sadd.s32 s8, s0  }
0xf: {  	[dreg:$0x9] =	wrdreg s29;
	s8 =	simm.s32 $0x5;
	s25 =	sadd.s32 $0x600, s0  }
.Ltmp0:
0x10: {  	s0 =	sadd.s32 $0xA240, s0;
	s9 =	sadd.s32 $0x28, s6;
	(pc) =	sbr.rel .LBB2_1-.Ltmp0, $4  }
0x11: {  	s10 =	sadd.s32 $0x50, s6;
	s11 =	sadd.s32 $0x78, s6;
	[dreg:$0x6] =	wrdreg s25  }
0x12: {  	s26 =	sshrl.u32 s6, $0x3;
	s12 =	sadd.s32 $0xA0, s6;
	[dreg:$0x7] =	wrdreg s0  }
0x13: {  	v1 =	vlaneseq.u32;
	s0 =	sadd.s32 s7, s26;
	s25 =	simm.s32 $0xB;
	s26 =	simm.s32 $0x2  }
0x14: {  	v0 =	vimm.s32 $0x0;
	v1 =	vmul.u32 $0x2, v1;
	s7 =	simm.s32 $0xE;
	[dreg:$0x8] =	wrdreg s0;
	s0 =	simm.s32 $0x10380  }
.LBB2_20:
0x15: {  	s15 =	rddreg [dreg:$0x8];
	s18 =	simm.s32 $0x4F80;
	s20 =	simm.s32 $0x10  }
0x16: {  	[hbm4b:s15+s5] =	stream.linear.scatter [tilespmem:s18], [sflag:$0x10], $0x1388, $0x38;
	[tilespmem:$0x12B80] =	vst v63  }
0x17: {  	_ =	swait.ge [sflag:s20], $0x1388  }
0x18: {  	s24 =	rddreg [dreg:$0xa]  }
0x19: {  	s29 =	rddreg [dreg:$0x9];
	s18 =	sadd.s32 $0x1, s24  }
0x1a: {  	p0 =	sne.s32 s18, s29  }
.Ltmp1:
0x1b: {  	_ = 	snop;
	(pc) =	sbr.rel @!p0 .LBB2_21-.Ltmp1, $3  }
0x1c: {  	_ =	sdelay $0x1  }
0x1d: {  	[sflag:s20] =	ssyncset.done $0x0  }
0x1e: {  	[sflag:s20] =	ssyncadd.s32 $0xFFFFEC78;
	s24 =	simm.s32 $0x2780  }
.LBB2_1:
0x1f: {  	[dreg:$0xa] =	wrdreg s18  }
0x20: {  	[tilespmem:$0x2710] =	vst v0;
	s15 =	rddreg [dreg:$0x6];
	v2 =	vor.u32 s5, v1  }
0x21: {  	[tilespmem:s5], [sflag:$0x10] =	stream.linear.gather [hbm4b:s15+s5], $0x2710, $0x38;
	[tilespmem:$0x12B80] =	vst v63  }
0x22: {  	_ =	swait.ge [sflag:s20], $0x2710  }
0x23: {  	[sflag:s20] =	ssyncset.done $0x0  }
0x24: {  	[sflag:s20] =	ssyncadd.s32 $0xFFFFD8F0  }
0x25: {  	s18 =	simm.s32 $0x20;
	v2 =	vld.idx.msk [tilespmem:v2+s5+$0x0], $0xffff  }
0x26: {  	v3 =	vor.u32 s18, v1;
	_ =	sdelay $0x3  }
0x27: {  	[tilespmem:s24+$0x0] =	vst v2  }
0x28: {  	s29 =	simm.s32 $0x40;
	v2 =	vld.idx.msk [tilespmem:v3+s5+$0x0], $0xffff  }
0x29: {  	s18 =	simm.s32 $0x60;
	s15 =	simm.s32 $0x2780;
	v3 =	vor.u32 s29, v1  }
.LBB2_2:
0x2a: {  	p0 =	sne.s32 s18, $0x2700;
	_ =	sdelay $0x1  }
.Ltmp2:
0x2b: {  	s15 =	sadd.s32 $0x10, s15;
	(pc) =	sbr.rel @p0 .LBB2_2-.Ltmp2, $3  }
0x2c: {  	[tilespmem:s15+$0x0] =	vst v2  }
0x2d: {  	v2 =	vld.idx.msk [tilespmem:v3+s5+$0x0], $0xffff;
	_ =	sdelay $0x1  }
0x2e: {  	v3 =	vor.u32 s18, v1;
	s18 =	sadd.s32 $0x20, s18  }
0x2f: {  	_ =	sdelay $0x1  }
0x30: {  	s15 =	sadd.s32 $0x10, s15  }
0x31: {  	[tilespmem:s15+$0x0] =	vst v2  }
0x32: {  	v2 =	vld.idx.msk [tilespmem:v3+s5+$0x0], $0xffff;
	_ =	sdelay $0x3  }
0x33: {  	s18 =	simm.s32 $0x0;
	s15 =	sadd.s32 $0x10, s15  }
0x34: {  	s29 =	rddreg [dreg:$0x7];
	[tilespmem:s15+$0x0] =	vst v2;
	v2 =	vor.u32 s18, v1  }
0x35: {  	[tilespmem:s18], [sflag:$0x10] =	stream.linear.gather [hbm4b:s29+s18], $0x2710, $0x38;
	[tilespmem:$0x12B80] =	vst v63  }
0x36: {  	_ =	swait.ge [sflag:s20], $0x2710  }
0x37: {  	[sflag:s20] =	ssyncset.done $0x0  }
0x38: {  	[sflag:s20] =	ssyncadd.s32 $0xFFFFD8F0  }
0x39: {  	s18 =	simm.s32 $0x20;
	v2 =	vld.idx.msk [tilespmem:v2+s5+$0x0], $0xffff  }
0x3a: {  	v3 =	vor.u32 s18, v1;
	_ =	sdelay $0x2  }
0x3b: {  	s15 =	simm.s32 $0x3B80  }
0x3c: {  	[tilespmem:s15+$0x0] =	vst v2  }
0x3d: {  	s29 =	simm.s32 $0x40;
	v2 =	vld.idx.msk [tilespmem:v3+s5+$0x0], $0xffff  }
0x3e: {  	s18 =	simm.s32 $0x60;
	v3 =	vor.u32 s29, v1  }
.LBB2_4:
0x3f: {  	p0 =	sne.s32 s18, $0x2700;
	_ =	sdelay $0x1  }
.Ltmp3:
0x40: {  	s15 =	sadd.s32 $0x10, s15;
	(pc) =	sbr.rel @p0 .LBB2_4-.Ltmp3, $3  }
0x41: {  	[tilespmem:s15+$0x0] =	vst v2  }
0x42: {  	v2 =	vld.idx.msk [tilespmem:v3+s5+$0x0], $0xffff;
	_ =	sdelay $0x1  }
0x43: {  	v3 =	vor.u32 s18, v1;
	s18 =	sadd.s32 $0x20, s18  }
0x44: {  	_ =	sdelay $0x1  }
0x45: {  	s15 =	sadd.s32 $0x10, s15  }
0x46: {  	[tilespmem:s15+$0x0] =	vst v2  }
0x47: {  	v2 =	vld.idx.msk [tilespmem:v3+s5+$0x0], $0xffff;
	_ =	sdelay $0x3  }
0x48: {  	s15 =	sadd.s32 $0x10, s15  }
0x49: {  	s18 =	simm.s32 $0x6380;
	[tilespmem:s15+$0x0] =	vst v2  }
0x4a: {  	[tilespmem:s18], [sflag:$0x1] =	stream.indirect.gather [hbm4b:s1+s16], $0x80, s24, s16, $0xb8;
	[tilespmem:$0x12B80] =	vst v63  }
0x4b: {  	s29 =	simm.s32 $0x3B80;
	s18 =	simm.s32 $0xC780  }
0x4c: {  	[tilespmem:s18], [sflag:$0x6] =	stream.indirect.gather [hbm4b:s1+s16], $0x80, s29, s16, $0xb8;
	[tilespmem:$0x12B80] =	vst v63  }
0x4d: {  	s24 =	simm.s32 $0x27A8;
	s29 =	simm.s32 $0x7780  }
0x4e: {  	[tilespmem:s29], [sflag:$0x2] =	stream.indirect.gather [hbm4b:s1+s16], $0x80, s24, s16, $0xb8;
	[tilespmem:$0x12B80] =	vst v63  }
0x4f: {  	s24 =	simm.s32 $0x3BA8;
	s29 =	simm.s32 $0xDB80  }
0x50: {  	[tilespmem:s29], [sflag:$0x7] =	stream.indirect.gather [hbm4b:s1+s16], $0x80, s24, s16, $0xb8;
	[tilespmem:$0x12B80] =	vst v63  }
0x51: {  	s24 =	simm.s32 $0x27D0;
	s29 =	simm.s32 $0x8B80  }
0x52: {  	[tilespmem:s29], [sflag:$0x3] =	stream.indirect.gather [hbm4b:s1+s16], $0x80, s24, s16, $0xb8;
	[tilespmem:$0x12B80] =	vst v63  }
0x53: {  	s24 =	simm.s32 $0x3BD0;
	s29 =	simm.s32 $0xEF80  }
0x54: {  	[tilespmem:s29], [sflag:$0x8] =	stream.indirect.gather [hbm4b:s1+s16], $0x80, s24, s16, $0xb8;
	[tilespmem:$0x12B80] =	vst v63  }
0x55: {  	s24 =	simm.s32 $0x27F8;
	s29 =	simm.s32 $0x9F80  }
0x56: {  	[tilespmem:s29], [sflag:$0x4] =	stream.indirect.gather [hbm4b:s1+s16], $0x80, s24, s16, $0xb8;
	[tilespmem:$0x12B80] =	vst v63  }
0x57: {  	s18 =	simm.s32 $0x3BF8  }
0x58: {  	[tilespmem:s0], [sflag:$0x9] =	stream.indirect.gather [hbm4b:s1+s16], $0x80, s18, s16, $0xb8;
	[tilespmem:$0x12B80] =	vst v63  }
0x59: {  	s24 =	simm.s32 $0x2820;
	s29 =	simm.s32 $0xB380  }
0x5a: {  	[tilespmem:s29], [sflag:$0x5] =	stream.indirect.gather [hbm4b:s1+s16], $0x80, s24, s16, $0xb8;
	[tilespmem:$0x12B80] =	vst v63  }
0x5b: {  	s24 =	simm.s32 $0x3C20  }
0x5c: {  	[tilespmem:s21], [sflag:$0xA] =	stream.indirect.gather [hbm4b:s1+s16], $0x80, s24, s16, $0xb8;
	[tilespmem:$0x12B80] =	vst v63  }
0x5d: {  	s15 =	simm.s32 $0x0;
	s29 =	rddreg [dreg:$0x2]  }
0x5e: {  	[tilespmem:s15], [sflag:$0x10] =	stream.linear.gather [hbm4b:s29+s15], $0x2710, $0x38;
	[tilespmem:$0x12B80] =	vst v63  }
0x5f: {  	_ =	swait.ge [sflag:s20], $0x2710  }
0x60: {  	[sflag:s20] =	ssyncset.done $0x0  }
0x61: {  	s18 =	simm.s32 $0x0;
	[sflag:s20] =	ssyncadd.s32 $0xFFFFD8F0  }
0x62: {  	v2 =	vld [tilespmem:s18+$0x2780];
	_ =	sdelay $0x7  }
0x63: {  	s24 =	simm.s32 $0x80;
	s20 =	simm.s32 $0x10;
	v2 =	vld.idx.msk [tilespmem:v2+s15+$0x0], $0xffff  }
.LBB2_6:
0x64: {  	p0 =	sne.s32 s24, $0x4E00;
	v3 =	vld [tilespmem:s20+$0x2780];
	_ =	sdelay $0x3  }
.Ltmp4:
0x65: {  	(pc) =	sbr.rel @p0 .LBB2_6-.Ltmp4, $2  }
0x66: {  	[tilespmem:s18+$0x4F80] =	vst v2;
	s18 =	smov.u32 s20;
	_ =	sdelay $0x2  }
0x67: {  	s20 =	sshra.s32 s24, $0x2;
	s24 =	sadd.s32 $0x40, s24;
	v2 =	vld.idx.msk [tilespmem:v3+s15+$0x0], $0xffff  }
0x68: {  	v3 =	vld [tilespmem:s20+$0x2780];
	_ =	sdelay $0x6  }
0x69: {  	[tilespmem:s18+$0x4F80] =	vst v2  }
0x6a: {  	v2 =	vld.idx.msk [tilespmem:v3+s15+$0x0], $0xffff;
	_ =	sdelay $0x4  }
0x6b: {  	[tilespmem:s20+$0x4F80] =	vst v2  }
.LBB2_8:
0x6c: {  	_ =	swait.ge [sflag:s22], $0x1400  }
0x6d: {  	[sflag:s22] =	ssyncset.done $0x0  }
0x6e: {  	[sflag:s22] =	ssyncadd.s32 $0xFFFFEC00  }
0x6f: {  	_ =	swait.ge [sflag:s23], $0x1400  }
0x70: {  	[sflag:s23] =	ssyncset.done $0x0  }
0x71: {  	s20 =	simm.s32 $0x0;
	[sflag:s23] =	ssyncadd.s32 $0xFFFFEC00  }
0x72: {  	v2 =	vld [tilespmem:s20+$0x6470]  }
0x73: {  	v3 =	vld [tilespmem:s20+$0x6380]  }
0x74: {  	v4 =	vld [tilespmem:s20+$0x6390]  }
0x75: {  	v5 =	vld [tilespmem:s20+$0x63A0]  }
0x76: {  	v6 =	vld [tilespmem:s20+$0x63B0]  }
0x77: {  	v7 =	vld [tilespmem:s20+$0x63C0]  }
0x78: {  	v8 =	vld [tilespmem:s20+$0x63D0]  }
0x79: {  	v9 =	vld [tilespmem:s20+$0x63E0]  }
0x7a: {  	v10 =	vld [tilespmem:s20+$0x63F0]  }
0x7b: {  	v11 =	vld [tilespmem:s20+$0x6400]  }
0x7c: {  	v12 =	vld [tilespmem:s20+$0x6410]  }
0x7d: {  	v13 =	vld [tilespmem:s20+$0x6420]  }
0x7e: {  	v14 =	vld [tilespmem:s20+$0x6430]  }
0x7f: {  	v15 =	vld [tilespmem:s20+$0x6440]  }
0x80: {  	v16 =	vld [tilespmem:s20+$0x6450]  }
0x81: {  	[tilespmem:s20+$0xC870] =	vst.add.f32.msk $0xffff, v2  }
0x82: {  	v2 =	vld [tilespmem:s20+$0x6460]  }
0x83: {  	[tilespmem:s20+$0xC780] =	vst.add.f32.msk $0xffff, v3  }
0x84: {  	[tilespmem:s20+$0xC790] =	vst.add.f32.msk $0xffff, v4  }
0x85: {  	[tilespmem:s20+$0xC7A0] =	vst.add.f32.msk $0xffff, v5  }
0x86: {  	[tilespmem:s20+$0xC7B0] =	vst.add.f32.msk $0xffff, v6  }
0x87: {  	[tilespmem:s20+$0xC7C0] =	vst.add.f32.msk $0xffff, v7  }
0x88: {  	[tilespmem:s20+$0xC7D0] =	vst.add.f32.msk $0xffff, v8  }
0x89: {  	[tilespmem:s20+$0xC7E0] =	vst.add.f32.msk $0xffff, v9  }
0x8a: {  	[tilespmem:s20+$0xC7F0] =	vst.add.f32.msk $0xffff, v10  }
0x8b: {  	[tilespmem:s20+$0xC800] =	vst.add.f32.msk $0xffff, v11  }
0x8c: {  	[tilespmem:s20+$0xC810] =	vst.add.f32.msk $0xffff, v12  }
0x8d: {  	[tilespmem:s20+$0xC820] =	vst.add.f32.msk $0xffff, v13  }
0x8e: {  	[tilespmem:s20+$0xC830] =	vst.add.f32.msk $0xffff, v14  }
0x8f: {  	[tilespmem:s20+$0xC840] =	vst.add.f32.msk $0xffff, v15  }
0x90: {  	s18 =	simm.s32 $0x0;
	s24 =	simm.s32 $0x400;
	[tilespmem:s20+$0xC850] =	vst.add.f32.msk $0xffff, v16  }
.LBB2_9:
0x91: {  	s18 =	sadd.s32 $0x2, s18;
	[tilespmem:s20+$0xC860] =	vst.add.f32.msk $0xffff, v2;
	s20 =	sshra.s32 s24, $0x2  }
0x92: {  	v2 =	vld [tilespmem:s20+$0x6470];
	p0 =	slt.u32 s18, $0x26  }
0x93: {  	v3 =	vld [tilespmem:s20+$0x6380]  }
0x94: {  	v4 =	vld [tilespmem:s20+$0x6390]  }
0x95: {  	v5 =	vld [tilespmem:s20+$0x63A0]  }
0x96: {  	v6 =	vld [tilespmem:s20+$0x63B0]  }
0x97: {  	[tilespmem:s20+$0xC870] =	vst.add.f32.msk $0xffff, v2  }
0x98: {  	v7 =	vld [tilespmem:s20+$0x63C0]  }
0x99: {  	v8 =	vld [tilespmem:s20+$0x63D0]  }
0x9a: {  	v9 =	vld [tilespmem:s20+$0x63E0]  }
0x9b: {  	v10 =	vld [tilespmem:s20+$0x63F0]  }
0x9c: {  	v11 =	vld [tilespmem:s20+$0x6400]  }
0x9d: {  	v12 =	vld [tilespmem:s20+$0x6410]  }
0x9e: {  	v13 =	vld [tilespmem:s20+$0x6420]  }
0x9f: {  	v14 =	vld [tilespmem:s20+$0x6430]  }
0xa0: {  	v15 =	vld [tilespmem:s20+$0x6440]  }
0xa1: {  	v16 =	vld [tilespmem:s20+$0x6450]  }
0xa2: {  	v2 =	vld [tilespmem:s20+$0x6460]  }
0xa3: {  	[tilespmem:s20+$0xC780] =	vst.add.f32.msk $0xffff, v3  }
0xa4: {  	[tilespmem:s20+$0xC790] =	vst.add.f32.msk $0xffff, v4  }
0xa5: {  	[tilespmem:s20+$0xC7A0] =	vst.add.f32.msk $0xffff, v5  }
0xa6: {  	[tilespmem:s20+$0xC7B0] =	vst.add.f32.msk $0xffff, v6  }
0xa7: {  	[tilespmem:s20+$0xC7C0] =	vst.add.f32.msk $0xffff, v7  }
0xa8: {  	[tilespmem:s20+$0xC7D0] =	vst.add.f32.msk $0xffff, v8  }
0xa9: {  	[tilespmem:s20+$0xC7E0] =	vst.add.f32.msk $0xffff, v9  }
0xaa: {  	[tilespmem:s20+$0xC7F0] =	vst.add.f32.msk $0xffff, v10  }
0xab: {  	[tilespmem:s20+$0xC800] =	vst.add.f32.msk $0xffff, v11  }
.Ltmp5:
0xac: {  	[tilespmem:s20+$0xC810] =	vst.add.f32.msk $0xffff, v12;
	(pc) =	sbr.rel @p0 .LBB2_9-.Ltmp5, $4  }
0xad: {  	[tilespmem:s20+$0xC820] =	vst.add.f32.msk $0xffff, v13  }
0xae: {  	[tilespmem:s20+$0xC830] =	vst.add.f32.msk $0xffff, v14  }
0xaf: {  	[tilespmem:s20+$0xC840] =	vst.add.f32.msk $0xffff, v15  }
0xb0: {  	s24 =	sadd.s32 $0x400, s24;
	[tilespmem:s20+$0xC850] =	vst.add.f32.msk $0xffff, v16  }
0xb1: {  	s18 =	smul.u32 $0xC8, s15;
	_ =	sdelay $0x1  }
0xb2: {  	s24 =	sadd.s32 s6, s18  }
0xb3: {  	s24 =	sshll.u32 s24, $0x4  }
0xb4: {  	[tilespmem:s20+$0xC860] =	vst.add.f32.msk $0xffff, v2;
	s20 =	sadd.s32 s4, s24;
	s24 =	simm.s32 $0xC780  }
0xb5: {  	[hbm4b:s20+s5] =	stream.linear.scatter [tilespmem:s24], [sflag:$0xB], $0x1400, $0x38;
	[tilespmem:$0x12B80] =	vst v63  }
0xb6: {  	p0 =	seq.s32 s15, $0x18;
	_ =	swait.ge [sflag:s25], $0x1400  }
0xb7: {  	s29 =	simm.s32 @!p0 $0x6380;
	[sflag:s25] =	ssyncset.done $0x0  }
0xb8: {  	s20 =	sadd.s32 @!p0 $0x2848, s18;
	s24 =	simm.s32 @!p0 $0x28;
	[sflag:s25] =	ssyncadd.s32 $0xFFFFEC00  }
0xb9: {  	[tilespmem:s29], [sflag:$0x1] =	stream.indirect.gather @!p0 [hbm4b:s1+s24], $0x80, s20, s24, $0xb8;
	[tilespmem:$0x12B80] =	vst v63  }
0xba: {  	s20 =	sadd.s32 @!p0 $0x3C48, s18;
	s29 =	simm.s32 @!p0 $0xC780  }
0xbb: {  	[tilespmem:s29], [sflag:$0x6] =	stream.indirect.gather @!p0 [hbm4b:s1+s24], $0x80, s20, s24, $0xb8;
	[tilespmem:$0x12B80] =	vst v63  }
0xbc: {  	_ =	swait.ge [sflag:s26], $0x1400  }
0xbd: {  	[sflag:s26] =	ssyncset.done $0x0  }
0xbe: {  	[sflag:s26] =	ssyncadd.s32 $0xFFFFEC00  }
0xbf: {  	_ =	swait.ge [sflag:s28], $0x1400  }
0xc0: {  	[sflag:s28] =	ssyncset.done $0x0  }
0xc1: {  	s20 =	simm.s32 $0x0;
	[sflag:s28] =	ssyncadd.s32 $0xFFFFEC00  }
0xc2: {  	v2 =	vld [tilespmem:s20+$0x7870]  }
0xc3: {  	v3 =	vld [tilespmem:s20+$0x7780]  }
0xc4: {  	v4 =	vld [tilespmem:s20+$0x7790]  }
0xc5: {  	v5 =	vld [tilespmem:s20+$0x77A0]  }
0xc6: {  	v6 =	vld [tilespmem:s20+$0x77B0]  }
0xc7: {  	v7 =	vld [tilespmem:s20+$0x77C0]  }
0xc8: {  	v8 =	vld [tilespmem:s20+$0x77D0]  }
0xc9: {  	v9 =	vld [tilespmem:s20+$0x77E0]  }
0xca: {  	v10 =	vld [tilespmem:s20+$0x77F0]  }
0xcb: {  	v11 =	vld [tilespmem:s20+$0x7800]  }
0xcc: {  	v12 =	vld [tilespmem:s20+$0x7810]  }
0xcd: {  	v13 =	vld [tilespmem:s20+$0x7820]  }
0xce: {  	v14 =	vld [tilespmem:s20+$0x7830]  }
0xcf: {  	v15 =	vld [tilespmem:s20+$0x7840]  }
0xd0: {  	v16 =	vld [tilespmem:s20+$0x7850]  }
0xd1: {  	[tilespmem:s20+$0xDC70] =	vst.add.f32.msk $0xffff, v2  }
0xd2: {  	v2 =	vld [tilespmem:s20+$0x7860]  }
0xd3: {  	[tilespmem:s20+$0xDB80] =	vst.add.f32.msk $0xffff, v3  }
0xd4: {  	[tilespmem:s20+$0xDB90] =	vst.add.f32.msk $0xffff, v4  }
0xd5: {  	[tilespmem:s20+$0xDBA0] =	vst.add.f32.msk $0xffff, v5  }
0xd6: {  	[tilespmem:s20+$0xDBB0] =	vst.add.f32.msk $0xffff, v6  }
0xd7: {  	[tilespmem:s20+$0xDBC0] =	vst.add.f32.msk $0xffff, v7  }
0xd8: {  	[tilespmem:s20+$0xDBD0] =	vst.add.f32.msk $0xffff, v8  }
0xd9: {  	[tilespmem:s20+$0xDBE0] =	vst.add.f32.msk $0xffff, v9  }
0xda: {  	[tilespmem:s20+$0xDBF0] =	vst.add.f32.msk $0xffff, v10  }
0xdb: {  	[tilespmem:s20+$0xDC00] =	vst.add.f32.msk $0xffff, v11  }
0xdc: {  	[tilespmem:s20+$0xDC10] =	vst.add.f32.msk $0xffff, v12  }
0xdd: {  	[tilespmem:s20+$0xDC20] =	vst.add.f32.msk $0xffff, v13  }
0xde: {  	[tilespmem:s20+$0xDC30] =	vst.add.f32.msk $0xffff, v14  }
0xdf: {  	[tilespmem:s20+$0xDC40] =	vst.add.f32.msk $0xffff, v15  }
0xe0: {  	s24 =	simm.s32 $0x0;
	s29 =	simm.s32 $0x400;
	[tilespmem:s20+$0xDC50] =	vst.add.f32.msk $0xffff, v16  }
.LBB2_11:
0xe1: {  	s24 =	sadd.s32 $0x2, s24;
	[tilespmem:s20+$0xDC60] =	vst.add.f32.msk $0xffff, v2;
	s20 =	sshra.s32 s29, $0x2  }
0xe2: {  	v2 =	vld [tilespmem:s20+$0x7870];
	p1 =	slt.u32 s24, $0x26  }
0xe3: {  	v3 =	vld [tilespmem:s20+$0x7780]  }
0xe4: {  	v4 =	vld [tilespmem:s20+$0x7790]  }
0xe5: {  	v5 =	vld [tilespmem:s20+$0x77A0]  }
0xe6: {  	v6 =	vld [tilespmem:s20+$0x77B0]  }
0xe7: {  	[tilespmem:s20+$0xDC70] =	vst.add.f32.msk $0xffff, v2  }
0xe8: {  	v7 =	vld [tilespmem:s20+$0x77C0]  }
0xe9: {  	v8 =	vld [tilespmem:s20+$0x77D0]  }
0xea: {  	v9 =	vld [tilespmem:s20+$0x77E0]  }
0xeb: {  	v10 =	vld [tilespmem:s20+$0x77F0]  }
0xec: {  	v11 =	vld [tilespmem:s20+$0x7800]  }
0xed: {  	v12 =	vld [tilespmem:s20+$0x7810]  }
0xee: {  	v13 =	vld [tilespmem:s20+$0x7820]  }
0xef: {  	v14 =	vld [tilespmem:s20+$0x7830]  }
0xf0: {  	v15 =	vld [tilespmem:s20+$0x7840]  }
0xf1: {  	v16 =	vld [tilespmem:s20+$0x7850]  }
0xf2: {  	v2 =	vld [tilespmem:s20+$0x7860]  }
0xf3: {  	[tilespmem:s20+$0xDB80] =	vst.add.f32.msk $0xffff, v3  }
0xf4: {  	[tilespmem:s20+$0xDB90] =	vst.add.f32.msk $0xffff, v4  }
0xf5: {  	[tilespmem:s20+$0xDBA0] =	vst.add.f32.msk $0xffff, v5  }
0xf6: {  	[tilespmem:s20+$0xDBB0] =	vst.add.f32.msk $0xffff, v6  }
0xf7: {  	[tilespmem:s20+$0xDBC0] =	vst.add.f32.msk $0xffff, v7  }
0xf8: {  	[tilespmem:s20+$0xDBD0] =	vst.add.f32.msk $0xffff, v8  }
0xf9: {  	[tilespmem:s20+$0xDBE0] =	vst.add.f32.msk $0xffff, v9  }
0xfa: {  	[tilespmem:s20+$0xDBF0] =	vst.add.f32.msk $0xffff, v10  }
0xfb: {  	[tilespmem:s20+$0xDC00] =	vst.add.f32.msk $0xffff, v11  }
.Ltmp6:
0xfc: {  	[tilespmem:s20+$0xDC10] =	vst.add.f32.msk $0xffff, v12;
	(pc) =	sbr.rel @p1 .LBB2_11-.Ltmp6, $4  }
0xfd: {  	[tilespmem:s20+$0xDC20] =	vst.add.f32.msk $0xffff, v13  }
0xfe: {  	[tilespmem:s20+$0xDC30] =	vst.add.f32.msk $0xffff, v14  }
0xff: {  	[tilespmem:s20+$0xDC40] =	vst.add.f32.msk $0xffff, v15  }
0x100: {  	s29 =	sadd.s32 $0x400, s29;
	[tilespmem:s20+$0xDC50] =	vst.add.f32.msk $0xffff, v16  }
0x101: {  	s24 =	sadd.s32 s18, s9  }
0x102: {  	s24 =	sshll.u32 s24, $0x4  }
0x103: {  	[tilespmem:s20+$0xDC60] =	vst.add.f32.msk $0xffff, v2;
	s20 =	sadd.s32 s4, s24;
	s24 =	simm.s32 $0xDB80  }
0x104: {  	[hbm4b:s20+s5] =	stream.linear.scatter [tilespmem:s24], [sflag:$0xC], $0x1400, $0x38;
	[tilespmem:$0x12B80] =	vst v63  }
0x105: {  	_ =	swait.ge [sflag:s30], $0x1400  }
0x106: {  	s29 =	simm.s32 @!p0 $0x7780;
	[sflag:s30] =	ssyncset.done $0x0  }
0x107: {  	s20 =	sadd.s32 @!p0 $0x2870, s18;
	s24 =	simm.s32 @!p0 $0x28;
	[sflag:s30] =	ssyncadd.s32 $0xFFFFEC00  }
0x108: {  	[tilespmem:s29], [sflag:$0x2] =	stream.indirect.gather @!p0 [hbm4b:s1+s24], $0x80, s20, s24, $0xb8;
	[tilespmem:$0x12B80] =	vst v63  }
0x109: {  	s20 =	sadd.s32 @!p0 $0x3C70, s18;
	s29 =	simm.s32 @!p0 $0xDB80  }
0x10a: {  	[tilespmem:s29], [sflag:$0x7] =	stream.indirect.gather @!p0 [hbm4b:s1+s24], $0x80, s20, s24, $0xb8;
	[tilespmem:$0x12B80] =	vst v63  }
0x10b: {  	_ =	swait.ge [sflag:s31], $0x1400  }
0x10c: {  	[sflag:s31] =	ssyncset.done $0x0  }
0x10d: {  	[sflag:s31] =	ssyncadd.s32 $0xFFFFEC00  }
0x10e: {  	_ =	swait.ge [sflag:s3], $0x1400  }
0x10f: {  	[sflag:s3] =	ssyncset.done $0x0  }
0x110: {  	s20 =	simm.s32 $0x0;
	[sflag:s3] =	ssyncadd.s32 $0xFFFFEC00  }
0x111: {  	v2 =	vld [tilespmem:s20+$0x8C70]  }
0x112: {  	v3 =	vld [tilespmem:s20+$0x8B80]  }
0x113: {  	v4 =	vld [tilespmem:s20+$0x8B90]  }
0x114: {  	v5 =	vld [tilespmem:s20+$0x8BA0]  }
0x115: {  	v6 =	vld [tilespmem:s20+$0x8BB0]  }
0x116: {  	v7 =	vld [tilespmem:s20+$0x8BC0]  }
0x117: {  	v8 =	vld [tilespmem:s20+$0x8BD0]  }
0x118: {  	v9 =	vld [tilespmem:s20+$0x8BE0]  }
0x119: {  	v10 =	vld [tilespmem:s20+$0x8BF0]  }
0x11a: {  	v11 =	vld [tilespmem:s20+$0x8C00]  }
0x11b: {  	v12 =	vld [tilespmem:s20+$0x8C10]  }
0x11c: {  	v13 =	vld [tilespmem:s20+$0x8C20]  }
0x11d: {  	v14 =	vld [tilespmem:s20+$0x8C30]  }
0x11e: {  	v15 =	vld [tilespmem:s20+$0x8C40]  }
0x11f: {  	v16 =	vld [tilespmem:s20+$0x8C50]  }
0x120: {  	[tilespmem:s20+$0xF070] =	vst.add.f32.msk $0xffff, v2  }
0x121: {  	v2 =	vld [tilespmem:s20+$0x8C60]  }
0x122: {  	[tilespmem:s20+$0xEF80] =	vst.add.f32.msk $0xffff, v3  }
0x123: {  	[tilespmem:s20+$0xEF90] =	vst.add.f32.msk $0xffff, v4  }
0x124: {  	[tilespmem:s20+$0xEFA0] =	vst.add.f32.msk $0xffff, v5  }
0x125: {  	[tilespmem:s20+$0xEFB0] =	vst.add.f32.msk $0xffff, v6  }
0x126: {  	[tilespmem:s20+$0xEFC0] =	vst.add.f32.msk $0xffff, v7  }
0x127: {  	[tilespmem:s20+$0xEFD0] =	vst.add.f32.msk $0xffff, v8  }
0x128: {  	[tilespmem:s20+$0xEFE0] =	vst.add.f32.msk $0xffff, v9  }
0x129: {  	[tilespmem:s20+$0xEFF0] =	vst.add.f32.msk $0xffff, v10  }
0x12a: {  	[tilespmem:s20+$0xF000] =	vst.add.f32.msk $0xffff, v11  }
0x12b: {  	[tilespmem:s20+$0xF010] =	vst.add.f32.msk $0xffff, v12  }
0x12c: {  	[tilespmem:s20+$0xF020] =	vst.add.f32.msk $0xffff, v13  }
0x12d: {  	[tilespmem:s20+$0xF030] =	vst.add.f32.msk $0xffff, v14  }
0x12e: {  	[tilespmem:s20+$0xF040] =	vst.add.f32.msk $0xffff, v15  }
0x12f: {  	s24 =	simm.s32 $0x0;
	s29 =	simm.s32 $0x400;
	[tilespmem:s20+$0xF050] =	vst.add.f32.msk $0xffff, v16  }
.LBB2_13:
0x130: {  	s24 =	sadd.s32 $0x2, s24;
	[tilespmem:s20+$0xF060] =	vst.add.f32.msk $0xffff, v2;
	s20 =	sshra.s32 s29, $0x2  }
0x131: {  	v2 =	vld [tilespmem:s20+$0x8C70];
	p1 =	slt.u32 s24, $0x26  }
0x132: {  	v3 =	vld [tilespmem:s20+$0x8B80]  }
0x133: {  	v4 =	vld [tilespmem:s20+$0x8B90]  }
0x134: {  	v5 =	vld [tilespmem:s20+$0x8BA0]  }
0x135: {  	v6 =	vld [tilespmem:s20+$0x8BB0]  }
0x136: {  	[tilespmem:s20+$0xF070] =	vst.add.f32.msk $0xffff, v2  }
0x137: {  	v7 =	vld [tilespmem:s20+$0x8BC0]  }
0x138: {  	v8 =	vld [tilespmem:s20+$0x8BD0]  }
0x139: {  	v9 =	vld [tilespmem:s20+$0x8BE0]  }
0x13a: {  	v10 =	vld [tilespmem:s20+$0x8BF0]  }
0x13b: {  	v11 =	vld [tilespmem:s20+$0x8C00]  }
0x13c: {  	v12 =	vld [tilespmem:s20+$0x8C10]  }
0x13d: {  	v13 =	vld [tilespmem:s20+$0x8C20]  }
0x13e: {  	v14 =	vld [tilespmem:s20+$0x8C30]  }
0x13f: {  	v15 =	vld [tilespmem:s20+$0x8C40]  }
0x140: {  	v16 =	vld [tilespmem:s20+$0x8C50]  }
0x141: {  	v2 =	vld [tilespmem:s20+$0x8C60]  }
0x142: {  	[tilespmem:s20+$0xEF80] =	vst.add.f32.msk $0xffff, v3  }
0x143: {  	[tilespmem:s20+$0xEF90] =	vst.add.f32.msk $0xffff, v4  }
0x144: {  	[tilespmem:s20+$0xEFA0] =	vst.add.f32.msk $0xffff, v5  }
0x145: {  	[tilespmem:s20+$0xEFB0] =	vst.add.f32.msk $0xffff, v6  }
0x146: {  	[tilespmem:s20+$0xEFC0] =	vst.add.f32.msk $0xffff, v7  }
0x147: {  	[tilespmem:s20+$0xEFD0] =	vst.add.f32.msk $0xffff, v8  }
0x148: {  	[tilespmem:s20+$0xEFE0] =	vst.add.f32.msk $0xffff, v9  }
0x149: {  	[tilespmem:s20+$0xEFF0] =	vst.add.f32.msk $0xffff, v10  }
0x14a: {  	[tilespmem:s20+$0xF000] =	vst.add.f32.msk $0xffff, v11  }
.Ltmp7:
0x14b: {  	[tilespmem:s20+$0xF010] =	vst.add.f32.msk $0xffff, v12;
	(pc) =	sbr.rel @p1 .LBB2_13-.Ltmp7, $4  }
0x14c: {  	[tilespmem:s20+$0xF020] =	vst.add.f32.msk $0xffff, v13  }
0x14d: {  	[tilespmem:s20+$0xF030] =	vst.add.f32.msk $0xffff, v14  }
0x14e: {  	[tilespmem:s20+$0xF040] =	vst.add.f32.msk $0xffff, v15  }
0x14f: {  	s29 =	sadd.s32 $0x400, s29;
	[tilespmem:s20+$0xF050] =	vst.add.f32.msk $0xffff, v16  }
0x150: {  	s24 =	sadd.s32 s18, s10  }
0x151: {  	s24 =	sshll.u32 s24, $0x4  }
0x152: {  	[tilespmem:s20+$0xF060] =	vst.add.f32.msk $0xffff, v2;
	s20 =	sadd.s32 s4, s24;
	s24 =	simm.s32 $0xEF80  }
0x153: {  	[hbm4b:s20+s5] =	stream.linear.scatter [tilespmem:s24], [sflag:$0xD], $0x1400, $0x38;
	[tilespmem:$0x12B80] =	vst v63  }
0x154: {  	_ =	swait.ge [sflag:s2], $0x1400  }
0x155: {  	s29 =	simm.s32 @!p0 $0x8B80;
	[sflag:s2] =	ssyncset.done $0x0  }
0x156: {  	s20 =	sadd.s32 @!p0 $0x2898, s18;
	s24 =	simm.s32 @!p0 $0x28;
	[sflag:s2] =	ssyncadd.s32 $0xFFFFEC00  }
0x157: {  	[tilespmem:s29], [sflag:$0x3] =	stream.indirect.gather @!p0 [hbm4b:s1+s24], $0x80, s20, s24, $0xb8;
	[tilespmem:$0x12B80] =	vst v63  }
0x158: {  	s20 =	sadd.s32 @!p0 $0x3C98, s18;
	s29 =	simm.s32 @!p0 $0xEF80  }
0x159: {  	[tilespmem:s29], [sflag:$0x8] =	stream.indirect.gather @!p0 [hbm4b:s1+s24], $0x80, s20, s24, $0xb8;
	[tilespmem:$0x12B80] =	vst v63  }
0x15a: {  	_ =	swait.ge [sflag:s19], $0x1400  }
0x15b: {  	[sflag:s19] =	ssyncset.done $0x0  }
0x15c: {  	[sflag:s19] =	ssyncadd.s32 $0xFFFFEC00  }
0x15d: {  	_ =	swait.ge [sflag:s17], $0x1400  }
0x15e: {  	[sflag:s17] =	ssyncset.done $0x0  }
0x15f: {  	s20 =	simm.s32 $0x0;
	[sflag:s17] =	ssyncadd.s32 $0xFFFFEC00  }
0x160: {  	v2 =	vld [tilespmem:s20+$0xA070]  }
0x161: {  	v3 =	vld [tilespmem:s20+$0x9F80]  }
0x162: {  	v4 =	vld [tilespmem:s20+$0x9F90]  }
0x163: {  	v5 =	vld [tilespmem:s20+$0x9FA0]  }
0x164: {  	v6 =	vld [tilespmem:s20+$0x9FB0]  }
0x165: {  	v7 =	vld [tilespmem:s20+$0x9FC0]  }
0x166: {  	v8 =	vld [tilespmem:s20+$0x9FD0]  }
0x167: {  	v9 =	vld [tilespmem:s20+$0x9FE0]  }
0x168: {  	v10 =	vld [tilespmem:s20+$0x9FF0]  }
0x169: {  	v11 =	vld [tilespmem:s20+$0xA000]  }
0x16a: {  	v12 =	vld [tilespmem:s20+$0xA010]  }
0x16b: {  	v13 =	vld [tilespmem:s20+$0xA020]  }
0x16c: {  	v14 =	vld [tilespmem:s20+$0xA030]  }
0x16d: {  	v15 =	vld [tilespmem:s20+$0xA040]  }
0x16e: {  	v16 =	vld [tilespmem:s20+$0xA050]  }
0x16f: {  	[tilespmem:s20+$0x10470] =	vst.add.f32.msk $0xffff, v2  }
0x170: {  	v2 =	vld [tilespmem:s20+$0xA060]  }
0x171: {  	[tilespmem:s20+$0x10380] =	vst.add.f32.msk $0xffff, v3  }
0x172: {  	[tilespmem:s20+$0x10390] =	vst.add.f32.msk $0xffff, v4  }
0x173: {  	[tilespmem:s20+$0x103A0] =	vst.add.f32.msk $0xffff, v5  }
0x174: {  	[tilespmem:s20+$0x103B0] =	vst.add.f32.msk $0xffff, v6  }
0x175: {  	[tilespmem:s20+$0x103C0] =	vst.add.f32.msk $0xffff, v7  }
0x176: {  	[tilespmem:s20+$0x103D0] =	vst.add.f32.msk $0xffff, v8  }
0x177: {  	[tilespmem:s20+$0x103E0] =	vst.add.f32.msk $0xffff, v9  }
0x178: {  	[tilespmem:s20+$0x103F0] =	vst.add.f32.msk $0xffff, v10  }
0x179: {  	[tilespmem:s20+$0x10400] =	vst.add.f32.msk $0xffff, v11  }
0x17a: {  	[tilespmem:s20+$0x10410] =	vst.add.f32.msk $0xffff, v12  }
0x17b: {  	[tilespmem:s20+$0x10420] =	vst.add.f32.msk $0xffff, v13  }
0x17c: {  	[tilespmem:s20+$0x10430] =	vst.add.f32.msk $0xffff, v14  }
0x17d: {  	[tilespmem:s20+$0x10440] =	vst.add.f32.msk $0xffff, v15  }
0x17e: {  	s24 =	simm.s32 $0x0;
	s29 =	simm.s32 $0x400;
	[tilespmem:s20+$0x10450] =	vst.add.f32.msk $0xffff, v16  }
.LBB2_15:
0x17f: {  	s24 =	sadd.s32 $0x2, s24;
	[tilespmem:s20+$0x10460] =	vst.add.f32.msk $0xffff, v2;
	s20 =	sshra.s32 s29, $0x2  }
0x180: {  	v2 =	vld [tilespmem:s20+$0xA070];
	p1 =	slt.u32 s24, $0x26  }
0x181: {  	v3 =	vld [tilespmem:s20+$0x9F80]  }
0x182: {  	v4 =	vld [tilespmem:s20+$0x9F90]  }
0x183: {  	v5 =	vld [tilespmem:s20+$0x9FA0]  }
0x184: {  	v6 =	vld [tilespmem:s20+$0x9FB0]  }
0x185: {  	[tilespmem:s20+$0x10470] =	vst.add.f32.msk $0xffff, v2  }
0x186: {  	v7 =	vld [tilespmem:s20+$0x9FC0]  }
0x187: {  	v8 =	vld [tilespmem:s20+$0x9FD0]  }
0x188: {  	v9 =	vld [tilespmem:s20+$0x9FE0]  }
0x189: {  	v10 =	vld [tilespmem:s20+$0x9FF0]  }
0x18a: {  	v11 =	vld [tilespmem:s20+$0xA000]  }
0x18b: {  	v12 =	vld [tilespmem:s20+$0xA010]  }
0x18c: {  	v13 =	vld [tilespmem:s20+$0xA020]  }
0x18d: {  	v14 =	vld [tilespmem:s20+$0xA030]  }
0x18e: {  	v15 =	vld [tilespmem:s20+$0xA040]  }
0x18f: {  	v16 =	vld [tilespmem:s20+$0xA050]  }
0x190: {  	v2 =	vld [tilespmem:s20+$0xA060]  }
0x191: {  	[tilespmem:s20+$0x10380] =	vst.add.f32.msk $0xffff, v3  }
0x192: {  	[tilespmem:s20+$0x10390] =	vst.add.f32.msk $0xffff, v4  }
0x193: {  	[tilespmem:s20+$0x103A0] =	vst.add.f32.msk $0xffff, v5  }
0x194: {  	[tilespmem:s20+$0x103B0] =	vst.add.f32.msk $0xffff, v6  }
0x195: {  	[tilespmem:s20+$0x103C0] =	vst.add.f32.msk $0xffff, v7  }
0x196: {  	[tilespmem:s20+$0x103D0] =	vst.add.f32.msk $0xffff, v8  }
0x197: {  	[tilespmem:s20+$0x103E0] =	vst.add.f32.msk $0xffff, v9  }
0x198: {  	[tilespmem:s20+$0x103F0] =	vst.add.f32.msk $0xffff, v10  }
0x199: {  	[tilespmem:s20+$0x10400] =	vst.add.f32.msk $0xffff, v11  }
.Ltmp8:
0x19a: {  	[tilespmem:s20+$0x10410] =	vst.add.f32.msk $0xffff, v12;
	(pc) =	sbr.rel @p1 .LBB2_15-.Ltmp8, $4  }
0x19b: {  	[tilespmem:s20+$0x10420] =	vst.add.f32.msk $0xffff, v13  }
0x19c: {  	[tilespmem:s20+$0x10430] =	vst.add.f32.msk $0xffff, v14  }
0x19d: {  	[tilespmem:s20+$0x10440] =	vst.add.f32.msk $0xffff, v15  }
0x19e: {  	s29 =	sadd.s32 $0x400, s29;
	[tilespmem:s20+$0x10450] =	vst.add.f32.msk $0xffff, v16  }
0x19f: {  	s24 =	sadd.s32 s18, s11  }
0x1a0: {  	s24 =	sshll.u32 s24, $0x4  }
0x1a1: {  	[tilespmem:s20+$0x10460] =	vst.add.f32.msk $0xffff, v2;
	s24 =	sadd.s32 s4, s24  }
0x1a2: {  	[hbm4b:s24+s5] =	stream.linear.scatter [tilespmem:s0], [sflag:$0xE], $0x1400, $0x38;
	[tilespmem:$0x12B80] =	vst v63  }
0x1a3: {  	_ =	swait.ge [sflag:s7], $0x1400  }
0x1a4: {  	s20 =	sadd.s32 @!p0 $0x28C0, s18;
	[sflag:s7] =	ssyncset.done $0x0  }
0x1a5: {  	s29 =	simm.s32 @!p0 $0x9F80;
	s24 =	simm.s32 @!p0 $0x28;
	[sflag:s7] =	ssyncadd.s32 $0xFFFFEC00  }
0x1a6: {  	[tilespmem:s29], [sflag:$0x4] =	stream.indirect.gather @!p0 [hbm4b:s1+s24], $0x80, s20, s24, $0xb8;
	[tilespmem:$0x12B80] =	vst v63  }
0x1a7: {  	s20 =	sadd.s32 @!p0 $0x3CC0, s18;
	s29 =	simm.s32 @!p0 $0x10380  }
0x1a8: {  	[tilespmem:s29], [sflag:$0x9] =	stream.indirect.gather @!p0 [hbm4b:s1+s24], $0x80, s20, s24, $0xb8;
	[tilespmem:$0x12B80] =	vst v63  }
0x1a9: {  	_ =	swait.ge [sflag:s8], $0x1400  }
0x1aa: {  	[sflag:s8] =	ssyncset.done $0x0  }
0x1ab: {  	[sflag:s8] =	ssyncadd.s32 $0xFFFFEC00  }
0x1ac: {  	_ =	swait.ge [sflag:s13], $0x1400  }
0x1ad: {  	[sflag:s13] =	ssyncset.done $0x0  }
0x1ae: {  	s20 =	simm.s32 $0x0;
	[sflag:s13] =	ssyncadd.s32 $0xFFFFEC00  }
0x1af: {  	v2 =	vld [tilespmem:s20+$0xB470]  }
0x1b0: {  	v3 =	vld [tilespmem:s20+$0xB380]  }
0x1b1: {  	v4 =	vld [tilespmem:s20+$0xB390]  }
0x1b2: {  	v5 =	vld [tilespmem:s20+$0xB3A0]  }
0x1b3: {  	v6 =	vld [tilespmem:s20+$0xB3B0]  }
0x1b4: {  	v7 =	vld [tilespmem:s20+$0xB3C0]  }
0x1b5: {  	v8 =	vld [tilespmem:s20+$0xB3D0]  }
0x1b6: {  	v9 =	vld [tilespmem:s20+$0xB3E0]  }
0x1b7: {  	v10 =	vld [tilespmem:s20+$0xB3F0]  }
0x1b8: {  	v11 =	vld [tilespmem:s20+$0xB400]  }
0x1b9: {  	v12 =	vld [tilespmem:s20+$0xB410]  }
0x1ba: {  	v13 =	vld [tilespmem:s20+$0xB420]  }
0x1bb: {  	v14 =	vld [tilespmem:s20+$0xB430]  }
0x1bc: {  	v15 =	vld [tilespmem:s20+$0xB440]  }
0x1bd: {  	v16 =	vld [tilespmem:s20+$0xB450]  }
0x1be: {  	[tilespmem:s20+$0x11870] =	vst.add.f32.msk $0xffff, v2  }
0x1bf: {  	v2 =	vld [tilespmem:s20+$0xB460]  }
0x1c0: {  	[tilespmem:s20+$0x11780] =	vst.add.f32.msk $0xffff, v3  }
0x1c1: {  	[tilespmem:s20+$0x11790] =	vst.add.f32.msk $0xffff, v4  }
0x1c2: {  	[tilespmem:s20+$0x117A0] =	vst.add.f32.msk $0xffff, v5  }
0x1c3: {  	[tilespmem:s20+$0x117B0] =	vst.add.f32.msk $0xffff, v6  }
0x1c4: {  	[tilespmem:s20+$0x117C0] =	vst.add.f32.msk $0xffff, v7  }
0x1c5: {  	[tilespmem:s20+$0x117D0] =	vst.add.f32.msk $0xffff, v8  }
0x1c6: {  	[tilespmem:s20+$0x117E0] =	vst.add.f32.msk $0xffff, v9  }
0x1c7: {  	[tilespmem:s20+$0x117F0] =	vst.add.f32.msk $0xffff, v10  }
0x1c8: {  	[tilespmem:s20+$0x11800] =	vst.add.f32.msk $0xffff, v11  }
0x1c9: {  	[tilespmem:s20+$0x11810] =	vst.add.f32.msk $0xffff, v12  }
0x1ca: {  	[tilespmem:s20+$0x11820] =	vst.add.f32.msk $0xffff, v13  }
0x1cb: {  	[tilespmem:s20+$0x11830] =	vst.add.f32.msk $0xffff, v14  }
0x1cc: {  	[tilespmem:s20+$0x11840] =	vst.add.f32.msk $0xffff, v15  }
0x1cd: {  	s24 =	simm.s32 $0x0;
	s29 =	simm.s32 $0x400;
	[tilespmem:s20+$0x11850] =	vst.add.f32.msk $0xffff, v16  }
.LBB2_17:
0x1ce: {  	s24 =	sadd.s32 $0x2, s24;
	[tilespmem:s20+$0x11860] =	vst.add.f32.msk $0xffff, v2;
	s20 =	sshra.s32 s29, $0x2  }
0x1cf: {  	v2 =	vld [tilespmem:s20+$0xB470];
	p1 =	slt.u32 s24, $0x26  }
0x1d0: {  	v3 =	vld [tilespmem:s20+$0xB380]  }
0x1d1: {  	v4 =	vld [tilespmem:s20+$0xB390]  }
0x1d2: {  	v5 =	vld [tilespmem:s20+$0xB3A0]  }
0x1d3: {  	v6 =	vld [tilespmem:s20+$0xB3B0]  }
0x1d4: {  	[tilespmem:s20+$0x11870] =	vst.add.f32.msk $0xffff, v2  }
0x1d5: {  	v7 =	vld [tilespmem:s20+$0xB3C0]  }
0x1d6: {  	v8 =	vld [tilespmem:s20+$0xB3D0]  }
0x1d7: {  	v9 =	vld [tilespmem:s20+$0xB3E0]  }
0x1d8: {  	v10 =	vld [tilespmem:s20+$0xB3F0]  }
0x1d9: {  	v11 =	vld [tilespmem:s20+$0xB400]  }
0x1da: {  	v12 =	vld [tilespmem:s20+$0xB410]  }
0x1db: {  	v13 =	vld [tilespmem:s20+$0xB420]  }
0x1dc: {  	v14 =	vld [tilespmem:s20+$0xB430]  }
0x1dd: {  	v15 =	vld [tilespmem:s20+$0xB440]  }
0x1de: {  	v16 =	vld [tilespmem:s20+$0xB450]  }
0x1df: {  	v2 =	vld [tilespmem:s20+$0xB460]  }
0x1e0: {  	[tilespmem:s20+$0x11780] =	vst.add.f32.msk $0xffff, v3  }
0x1e1: {  	[tilespmem:s20+$0x11790] =	vst.add.f32.msk $0xffff, v4  }
0x1e2: {  	[tilespmem:s20+$0x117A0] =	vst.add.f32.msk $0xffff, v5  }
0x1e3: {  	[tilespmem:s20+$0x117B0] =	vst.add.f32.msk $0xffff, v6  }
0x1e4: {  	[tilespmem:s20+$0x117C0] =	vst.add.f32.msk $0xffff, v7  }
0x1e5: {  	[tilespmem:s20+$0x117D0] =	vst.add.f32.msk $0xffff, v8  }
0x1e6: {  	[tilespmem:s20+$0x117E0] =	vst.add.f32.msk $0xffff, v9  }
0x1e7: {  	[tilespmem:s20+$0x117F0] =	vst.add.f32.msk $0xffff, v10  }
0x1e8: {  	[tilespmem:s20+$0x11800] =	vst.add.f32.msk $0xffff, v11  }
.Ltmp9:
0x1e9: {  	[tilespmem:s20+$0x11810] =	vst.add.f32.msk $0xffff, v12;
	(pc) =	sbr.rel @p1 .LBB2_17-.Ltmp9, $4  }
0x1ea: {  	[tilespmem:s20+$0x11820] =	vst.add.f32.msk $0xffff, v13  }
0x1eb: {  	[tilespmem:s20+$0x11830] =	vst.add.f32.msk $0xffff, v14  }
0x1ec: {  	[tilespmem:s20+$0x11840] =	vst.add.f32.msk $0xffff, v15  }
0x1ed: {  	s29 =	sadd.s32 $0x400, s29;
	[tilespmem:s20+$0x11850] =	vst.add.f32.msk $0xffff, v16  }
0x1ee: {  	s24 =	sadd.s32 s18, s12  }
0x1ef: {  	s24 =	sshll.u32 s24, $0x4  }
.Ltmp10:
0x1f0: {  	[tilespmem:s20+$0x11860] =	vst.add.f32.msk $0xffff, v2;
	s29 =	sadd.s32 s4, s24;
	(pc) =	sbr.rel @p0 .LBB2_20-.Ltmp10, $4  }
0x1f1: {  	[hbm4b:s29+s5] =	stream.linear.scatter [tilespmem:s21], [sflag:$0xF], $0x1400, $0x38;
	[tilespmem:$0x12B80] =	vst v63  }
0x1f2: {  	_ =	swait.ge [sflag:s14], $0x1400  }
0x1f3: {  	[sflag:s14] =	ssyncset.done $0x0  }
0x1f4: {  	[sflag:s14] =	ssyncadd.s32 $0xFFFFEC00  }
.Ltmp11:
0x1f5: {  	(pc) =	sbr.rel .LBB2_8-.Ltmp11, $4  }
0x1f6: {  	s20 =	sadd.s32 $0x28E8, s18;
	s24 =	simm.s32 $0xB380  }
0x1f7: {  	[tilespmem:s24], [sflag:$0x5] =	stream.indirect.gather [hbm4b:s1+s16], $0x80, s20, s16, $0xb8;
	[tilespmem:$0x12B80] =	vst v63  }
0x1f8: {  	s29 =	sadd.s32 $0x3CE8, s18;
	s15 =	sadd.s32 $0x1, s15  }
0x1f9: {  	[tilespmem:s21], [sflag:$0xA] =	stream.indirect.gather [hbm4b:s1+s16], $0x80, s29, s16, $0xb8;
	[tilespmem:$0x12B80] =	vst v63  }
.LBB2_21:
0x1fa: {  	_ =	sfence.sel $0x180000  }
0x1fb: {  	[bflag:$0x0] =	sbarrier.arrive $0xFFFF  }
0x1fc: {  	_ =	strace $0x90000047  }
0x1fd: {  	s0 =	stileid.u32;
	[bflag:$0x2] =	sbarrier.arrive $0xFFFF  }
0x1fe: {  	p0 =	sne.s32 s0, $0x0;
	s0 =	rddreg [dreg:$0x5]  }
0x1ff: {  	s0 =	sadd.s32 @!p0 $0x100000, s0  }
0x200: {  	[sflag:s0] =	ssyncadd.tile.s32 @!p0 $0x1;
	_ =	shalt  }
.Lfunc_end2:
_tile_overlayer_lowered:
.L_overlay_start_2:
0x201: {  	(tag) =	ssettag $0x2  }
0x202: {  	s0 =	rddreg [dreg:$0x0];
	s2 =	stileid.u32  }
0x203: {  	s1 =	rddreg [dreg:$0x1];
	p0 =	sne.s32 s2, $0x0  }
0x204: {  	s3 =	rddreg [dreg:$0x2];
	[bflag:$0x3] =	sbarrier.arrive $0xFFFF;
	s2 =	simm.s32 @!p0 $0x1C10  }
0x205: {  	[timem:s3], [sflag:s2] =	dma.local @!p0 [hbm:s0], s1  }
0x206: {  	s0 =	simm.s32 @!p0 $0x10  }
0x207: {  	_ =	swait.ge @!p0 [sflag:s0], s1  }
0x208: {  	s1 =	ssub.s32 @!p0 $0x0, s1;
	[sflag:s0] =	ssyncset.done @!p0 $0x0  }
0x209: {  	[sflag:s0] =	ssyncadd.s32 @!p0 s1  }
0x20a: {  	[bflag:$0x3] =	sbarrier.arrive $0xFFFF  }
0x20b: {  	_ =	shalt  }

</sc_bundles>
